<compile_context>
chip_gen: v7x
topology: tpu7x:2x2x1
jax: 0.10.2.dev20260603
libtpu: 0.0.44.dev20260713+nightly
codegen_flags: <defaults>
</compile_context>

<pallas_src>
import functools

import numpy as np
import jax
import jax.numpy as jnp
from jax import lax
from jax.experimental import pallas as pl
from jax.experimental.pallas import tpu as pltpu
from jax.experimental.pallas import tpu_sc as plsc

_T = 0.07
_EPS_MASK = 100000.0
_MASK_NEG = float(-np.log(0.005))

_HW = 128 * 128
_CHW = 128 * _HW
_SPW = 128


def _sc_gather_impl(xflat, kp_hbm, noise_hbm, out_hbm,
                    base_v, kpbuf_v, idx_v, feats_v, sem):
    wid = lax.axis_index("s") * 2 + lax.axis_index("c")
    n = wid // 2
    kpn = wid % 2
    noff = n * _CHW

    @pl.when(kpn == 0)
    def _kp_base():
        pltpu.sync_copy(kp_hbm.at[n], kpbuf_v)
        zero16 = jnp.zeros((16,), jnp.int32)
        for sb in range(8):
            ii = lax.broadcasted_iota(jnp.int32, (16,), 0) + sb * 16
            y = plsc.load_gather(kpbuf_v, [ii, zero16])
            x = plsc.load_gather(kpbuf_v, [ii, zero16 + 1])
            base_v[pl.ds(sb * 16, 16)] = y * 128 + x + noff

    @pl.when(kpn == 1)
    def _noise_base():
        pltpu.sync_copy(noise_hbm.at[n], base_v)
        for sb in range(8):
            base_v[pl.ds(sb * 16, 16)] = base_v[pl.ds(sb * 16, 16)] + noff

    def build_body(c, carry):
        coff = c * _HW
        for sb in range(_SPW // 16):
            idx_v[pl.ds(c * _SPW + sb * 16, 16)] = (
                base_v[pl.ds(sb * 16, 16)] + coff)
        return carry

    lax.fori_loop(0, 128, build_body, 0)

    pltpu.async_copy(xflat.at[idx_v], feats_v, sem).wait()
    pltpu.sync_copy(feats_v, out_hbm.at[wid])


@functools.lru_cache(maxsize=1)
def _sc_gather_fn():
    return functools.partial(
        pl.kernel,
        mesh=plsc.VectorSubcoreMesh(core_axis_name="c", subcore_axis_name="s"),
        out_type=jax.ShapeDtypeStruct((32, 128 * _SPW), jnp.float32),
        scratch_types=[
            pltpu.VMEM((_SPW,), jnp.int32),
            pltpu.VMEM((_SPW, 2), jnp.int32),
            pltpu.VMEM((128 * _SPW,), jnp.int32),
            pltpu.VMEM((128 * _SPW,), jnp.float32),
            pltpu.SemaphoreType.DMA,
        ],
        compiler_params=pltpu.CompilerParams(
            use_tc_tiling_on_sc=False, needs_layout_passes=False),
    )(_sc_gather_impl)


def _loss_tc(featsT_ref, bank_ref, adjf_ref, visT_ref, out_ref,
             num_ref, vis_ref, noise_ref):
    n = pl.program_id(0)

    @pl.when(n == 0)
    def _init():
        num_ref[...] = jnp.zeros_like(num_ref)
        vis_ref[...] = jnp.zeros_like(vis_ref)
        noise_ref[...] = jnp.zeros_like(noise_ref)

    kpT = featsT_ref[0, 0]
    nzT = featsT_ref[0, 1]

    def _norm(xT):
        s2 = jnp.sum(xT * xT, axis=0, keepdims=True)
        return xT / jnp.maximum(jnp.sqrt(s2), 1e-12)

    kpT = _norm(kpT)
    nzT = _norm(nzT)
    bank = bank_ref[...]

    sim = lax.dot_general(
        kpT, bank, (((0,), (1,)), ((), ())),
        preferred_element_type=jnp.float32,
        precision=lax.Precision.DEFAULT) / _T

    eye = (lax.broadcasted_iota(jnp.int32, (128, 128), 0)
           == lax.broadcasted_iota(jnp.int32, (128, 128), 1)).astype(jnp.float32)
    adjm = adjf_ref[...] * (1.0 - eye) * _EPS_MASK
    l3 = jnp.concatenate([sim[:, :128] - adjm,
                          sim[:, 128:256] - adjm,
                          sim[:, 256:384] - adjm], axis=1)
    neg = sim[:, 384:]
    mx = jnp.maximum(jnp.max(l3, axis=1, keepdims=True),
                     jnp.max(neg, axis=1, keepdims=True) - _MASK_NEG)
    se = (jnp.sum(jnp.exp(l3 - mx), axis=1, keepdims=True)
          + jnp.sum(jnp.exp(neg - (mx + _MASK_NEG)), axis=1, keepdims=True))
    lse = jnp.log(se) + mx
    lab = jnp.sum(sim[:, :128] * eye, axis=1, keepdims=True)
    nll = lse - lab
    visc = visT_ref[0]
    num_ref[...] += nll * visc
    vis_ref[...] += visc

    simn = lax.dot_general(
        nzT, bank[:384], (((0,), (1,)), ((), ())),
        preferred_element_type=jnp.float32,
        precision=lax.Precision.DEFAULT) / _T
    mxn = jnp.max(simn, axis=1, keepdims=True)
    lsen = jnp.log(jnp.sum(jnp.exp(simn - mxn), axis=1, keepdims=True)) + mxn
    noise_ref[...] += lsen

    @pl.when(n == 15)
    def _finish():
        total = (jnp.sum(num_ref[...]) / jnp.clip(jnp.sum(vis_ref[...]), 1e-6)
                 + jnp.sum(noise_ref[...]) / 2048.0)
        out_ref[...] = jnp.full((1, 1), total, jnp.float32)


def _loss_from_featsT(featsT, bank, adjf, visT, interpret=False):
    out = pl.pallas_call(
        _loss_tc,
        grid=(16,),
        in_specs=[
            pl.BlockSpec((1, 2, 128, 128), lambda n: (n, 0, 0, 0)),
            pl.BlockSpec((2432, 128), lambda n: (0, 0)),
            pl.BlockSpec((128, 128), lambda n: (0, 0)),
            pl.BlockSpec((1, 128, 1), lambda n: (n, 0, 0)),
        ],
        out_specs=pl.BlockSpec((1, 1), lambda n: (0, 0)),
        out_shape=jax.ShapeDtypeStruct((1, 1), jnp.float32),
        scratch_shapes=[pltpu.VMEM((128, 1), jnp.float32)] * 3,
        interpret=interpret,
    )(featsT, bank, adjf, visT)
    return out[0, 0]


def kernel(X, keypoint_positions, kp_vis, noise_idx, bank, adj_mat):
    N, C, H, W = X.shape
    kp_pos = keypoint_positions.astype(jnp.int32)
    nz_idx = noise_idx.astype(jnp.int32)
    feats4 = _sc_gather_fn()(X.reshape(N * C * H * W), kp_pos, nz_idx)
    featsT = feats4.reshape(N, 2, C, 128)
    adjf = adj_mat[0].astype(jnp.float32)
    visT = kp_vis[:, :, None]
    return _loss_from_featsT(featsT, bank, adjf, visT)

# --- scband reference (transcript-rebuilt; emitter-appended) ---
"""Pipeline reference for scband-co-ke-loss-37271726195142 (READ-ONLY COPY).

The authoritative reference and input builder live on the scoring server;
editing this copy changes nothing except your own understanding.
"""

import jax, jax.numpy as jnp
import numpy as np

T = 0.07
N_ORIENT = 3
NUM_NEG = 2048
WEIGHT_NOISE = 0.005
EPS_MASK = 100000.0


def setup_inputs(seed: int = 0) -> dict:
    key = jax.random.key(seed)
    ks = jax.random.split(key, 6)
    N, C, H, W = 16, 128, 128, 128
    K = 128
    n_noise = 128
    X = jax.random.normal(ks[0], (N, C, H, W), dtype=jnp.float32)
    keypoint_positions = jax.random.randint(ks[1], (N, K, 2), 0, H)
    kp_vis = jax.random.uniform(ks[2], (N, K), dtype=jnp.float32)
    noise_idx = jax.random.randint(ks[3], (N, n_noise), 0, H * W)
    bank = jax.random.normal(ks[4], (K * N_ORIENT + NUM_NEG, C), dtype=jnp.float32)
    adj_mat = jax.random.randint(ks[5], (1, K, K), 0, 2)
    return {"X": X, "keypoint_positions": keypoint_positions, "kp_vis": kp_vis,
            "noise_idx": noise_idx, "bank": bank, "adj_mat": adj_mat}


def reference(X, keypoint_positions, kp_vis, noise_idx, bank, adj_mat):
    N, C, H, W = X.shape
    K = keypoint_positions.shape[1]
    n_noise = noise_idx.shape[1]
    # GlobalLocalConverter with local_size=1 is identity -> flatten spatial dims
    Xf = jnp.transpose(X.reshape(N, C, H * W), (0, 2, 1))  # [N, HW, C]
    # keypoints_to_pixel_index (downsample_rate=1, line_size=W)
    kp_idx = keypoint_positions[:, :, 0] * W + keypoint_positions[:, :, 1]  # [N, K]
    all_idx = jnp.concatenate([kp_idx, noise_idx], axis=1)  # [N, K+n_noise]
    # ind_sel: gather sampled feature vectors
    gidx = jnp.broadcast_to(all_idx[:, :, None], (N, K + n_noise, C))
    feats = jnp.take_along_axis(Xf, gidx, axis=1)  # [N, K+n_noise, C]
    # F.normalize(p=2, dim=2)
    nrm = jnp.clip(jnp.linalg.norm(feats, axis=2, keepdims=True), 1e-12)
    feats = feats / nrm
    kp_feats = feats[:, :K]
    noise_feats = feats[:, K:]
    # similarity to memory bank [K*n_orient + num_neg, C]
    sim = jnp.einsum('nkc,mc->nkm', kp_feats, bank) / T
    # mask_remove_adjacent with num_neg > 0
    eye = jnp.eye(K, dtype=jnp.float32)
    tem = adj_mat.astype(jnp.float32) * (1.0 - eye[None])  # [1, K, K]
    mask_pos = jnp.tile(tem, (1, 1, N_ORIENT)) * EPS_MASK  # [1, K, K*n_orient]
    mask_neg = -jnp.ones((adj_mat.shape[0], K, NUM_NEG), dtype=jnp.float32) * np.log(WEIGHT_NOISE)
    mask = jnp.concatenate([mask_pos, mask_neg], axis=2)  # [1, K, K*n_orient+num_neg]
    logits = sim - mask
    labels = jnp.arange(K)
    logp = jax.nn.log_softmax(logits, axis=2)
    lidx = jnp.broadcast_to(labels[None, :, None], (N, K, 1))
    nll = -jnp.take_along_axis(logp, lidx, axis=2)[..., 0]  # [N, K]
    loss_contrastive = jnp.sum(nll * kp_vis) / jnp.clip(jnp.sum(kp_vis), 1e-6)
    # noise regularization: suppress noise features' similarity to keypoint bank entries
    sim_noise = jnp.einsum('nkc,mc->nkm', noise_feats, bank[:N_ORIENT * K]) / T
    loss_noise = jnp.mean(jax.nn.logsumexp(sim_noise, axis=2))
    total = 1.0 * loss_contrastive + 1.0 * loss_noise
    return total

if __name__ == "__main__":
    import jax
    _d = setup_inputs()
    print(jax.jit(kernel)(*tuple(_d.values())))

</pallas_src>

<mosaic_0001>
#map = affine_map<(d0, d1) -> (0)>
#map1 = affine_map<(d0, d1) -> (0, 0, 0)>
#map2 = affine_map<(d0, d1) -> (0, 0)>
module attributes {stable_mosaic.version = 14 : i64} {
  func.func @_sc_gather_impl(%arg0: i32, %arg1: i32, %arg2: memref<33554432xf32, #tpu.memory_space<hbm>>, %arg3: memref<16x128x2xi32, #tpu.memory_space<hbm>>, %arg4: memref<16x128xi32, #tpu.memory_space<hbm>>, %arg5: memref<32x16384xf32, #tpu.memory_space<hbm>>, %arg6: memref<128xi32, #tpu.memory_space<vmem>>, %arg7: memref<128x2xi32, #tpu.memory_space<vmem>>, %arg8: memref<16384xi32, #tpu.memory_space<vmem>>, %arg9: memref<16384xf32, #tpu.memory_space<vmem>>, %arg10: memref<!tpu.dma_semaphore, #tpu.memory_space<semaphore_mem>>) attributes {dimension_semantics = [#tpu.dimension_semantics<core_parallel>, #tpu.dimension_semantics<subcore_parallel>], iteration_bounds = array<i64: 2, 16>, scalar_prefetch = 0 : i64, scratch_operands = 5 : i64, tpu.core_type = #tpu.core_type<sc_vector_subcore>, window_params = [{transform_indices = #map}, {transform_indices = #map1}, {transform_indices = #map2}, {transform_indices = #map2}]} {
    %mul3A = arith.constant 2 : i32
    %mul3A_0 = arith.muli %arg1, %mul3A : i32
    %add3A = arith.addi %mul3A_0, %arg0 : i32
    %jit3A = arith.constant 2 : i32
    %div3A = arith.divsi %add3A, %jit3A : i32
    %sign3A = arith.constant 0 : i32
    %sign3A_1 = arith.cmpi sgt, %add3A, %sign3A : i32
    %sign3A_2 = arith.extui %sign3A_1 : i1 to i32
    %sign3A_3 = arith.constant 0 : i32
    %sign3A_4 = arith.cmpi slt, %add3A, %sign3A_3 : i32
    %sign3A_5 = arith.extui %sign3A_4 : i1 to i32
    %sign3A_6 = arith.subi %sign3A_2, %sign3A_5 : i32
    %sign3A_7 = arith.constant 0 : i32
    %sign3A_8 = arith.cmpi sgt, %jit3A, %sign3A_7 : i32
    %sign3A_9 = arith.extui %sign3A_8 : i1 to i32
    %sign3A_10 = arith.constant 0 : i32
    %sign3A_11 = arith.cmpi slt, %jit3A, %sign3A_10 : i32
    %sign3A_12 = arith.extui %sign3A_11 : i1 to i32
    %sign3A_13 = arith.subi %sign3A_9, %sign3A_12 : i32
    %ne3A = arith.cmpi ne, %sign3A_6, %sign3A_13 : i32
    %rem3A = arith.remsi %add3A, %jit3A : i32
    %ne3A_14 = arith.constant 0 : i32
    %ne3A_15 = arith.cmpi ne, %rem3A, %ne3A_14 : i32
    %and3A = arith.andi %ne3A, %ne3A_15 : i1
    %sub3A = arith.constant 1 : i32
    %sub3A_16 = arith.subi %div3A, %sub3A : i32
    %select_n3A = arith.select %and3A, %sub3A_16, %div3A : i32
    %jit3A_17 = arith.constant 2 : i32
    %eq3A = arith.constant 0 : i32
    %eq3A_18 = arith.cmpi eq, %jit3A_17, %eq3A : i32
    %jit3A_19 = arith.constant 1 : i32
    %select_n3A_20 = arith.select %eq3A_18, %jit3A_19, %jit3A_17 : i32
    %rem3A_21 = arith.remsi %add3A, %select_n3A_20 : i32
    %ne3A_22 = arith.constant 0 : i32
    %ne3A_23 = arith.cmpi ne, %rem3A_21, %ne3A_22 : i32
    %lt3A = arith.constant 0 : i32
    %lt3A_24 = arith.cmpi slt, %rem3A_21, %lt3A : i32
    %lt3A_25 = arith.constant 0 : i32
    %lt3A_26 = arith.cmpi slt, %select_n3A_20, %lt3A_25 : i32
    %ne3A_27 = arith.xori %lt3A_24, %lt3A_26 : i1
    %and3A_28 = arith.andi %ne3A_27, %ne3A_23 : i1
    %add3A_29 = arith.addi %rem3A_21, %select_n3A_20 : i32
    %select_n3A_30 = arith.select %and3A_28, %add3A_29, %rem3A_21 : i32
    %mul3A_31 = arith.constant 2097152 : i32
    %mul3A_32 = arith.muli %select_n3A, %mul3A_31 : i32
    %eq3A_33 = arith.constant 0 : i32
    %eq3A_34 = arith.cmpi eq, %select_n3A_30, %eq3A_33 : i32
    %convert_element_type3A = arith.extui %eq3A_34 : i1 to i32
    %cond3A = arith.constant 0 : i32
    %cond3A_35 = arith.cmpi ne, %convert_element_type3A, %cond3A : i32
    scf.if %cond3A_35 {
      "tpu.region"() ({
        %run_scoped3A = tpu.sem_alloc : memref<!tpu.dma_semaphore, #tpu.memory_space<semaphore_mem>>
        %dma_start3A_182 = arith.constant 0 : i32
        %dma_start3A_183 = arith.constant 0 : i32
        %dma_start3A_184 = tpu.memref_slice %arg3[%select_n3A, %dma_start3A_182, %dma_start3A_183] : memref<16x128x2xi32, #tpu.memory_space<hbm>> -> memref<1x128x2xi32, #tpu.memory_space<hbm>>
        %dma_start3A_185 = tpu.memref_squeeze %dma_start3A_184 : memref<1x128x2xi32, #tpu.memory_space<hbm>> -> memref<128x2xi32, #tpu.memory_space<hbm>>
        %dma_start3A_186 = arith.constant 0 : i32
        %dma_start3A_187 = arith.constant 0 : i32
        %dma_start3A_188 = tpu.memref_slice %arg3[%select_n3A, %dma_start3A_186, %dma_start3A_187] : memref<16x128x2xi32, #tpu.memory_space<hbm>> -> memref<1x128x2xi32, #tpu.memory_space<hbm>>
        %dma_start3A_189 = tpu.memref_squeeze %dma_start3A_188 : memref<1x128x2xi32, #tpu.memory_space<hbm>> -> memref<128x2xi32, #tpu.memory_space<hbm>>
        tpu.enqueue_dma source(%dma_start3A_189 : memref<128x2xi32, #tpu.memory_space<hbm>>) target(%arg7 : memref<128x2xi32, #tpu.memory_space<vmem>>) target_semaphore(%run_scoped3A : memref<!tpu.dma_semaphore, #tpu.memory_space<semaphore_mem>>)
        %dma_wait3A_190 = arith.constant 0 : i32
        %dma_wait3A_191 = arith.constant 0 : i32
        %dma_wait3A_192 = tpu.memref_slice %arg3[%select_n3A, %dma_wait3A_190, %dma_wait3A_191] : memref<16x128x2xi32, #tpu.memory_space<hbm>> -> memref<1x128x2xi32, #tpu.memory_space<hbm>>
        %dma_wait3A_193 = tpu.memref_squeeze %dma_wait3A_192 : memref<1x128x2xi32, #tpu.memory_space<hbm>> -> memref<128x2xi32, #tpu.memory_space<hbm>>
        %dma_wait3A_194 = arith.constant 0 : i32
        %dma_wait3A_195 = arith.constant 0 : i32
        %dma_wait3A_196 = tpu.memref_slice %arg3[%select_n3A, %dma_wait3A_194, %dma_wait3A_195] : memref<16x128x2xi32, #tpu.memory_space<hbm>> -> memref<1x128x2xi32, #tpu.memory_space<hbm>>
        %dma_wait3A_197 = tpu.memref_squeeze %dma_wait3A_196 : memref<1x128x2xi32, #tpu.memory_space<hbm>> -> memref<128x2xi32, #tpu.memory_space<hbm>>
        tpu.wait_dma2 semaphore(%run_scoped3A : memref<!tpu.dma_semaphore, #tpu.memory_space<semaphore_mem>>) src(%dma_wait3A_197 : memref<128x2xi32, #tpu.memory_space<hbm>>) dst(%arg7 : memref<128x2xi32, #tpu.memory_space<vmem>>)
        tpu.yield
      }) : () -> ()
      %broadcast_in_dim3A = arith.constant 0 : i32
      %broadcast_in_dim3A_48 = vector.broadcast %broadcast_in_dim3A : i32 to vector<16xi32>
      %iota3A = tpu.iota {dimensions = array<i32: 0>} : vector<16xi32>
      %add3A_49 = arith.constant 0 : i32
      %add3A_50 = vector.broadcast %add3A_49 : i32 to vector<16xi32>
      %add3A_51 = arith.addi %iota3A, %add3A_50 : vector<16xi32>
      %gather3A = tpu.vector_load_idx %arg7[%add3A_51, %broadcast_in_dim3A_48] : memref<128x2xi32, #tpu.memory_space<vmem>>[vector<16xi32>, vector<16xi32>], vector<16xi32>,
      %add3A_52 = arith.constant 1 : i32
      %add3A_53 = vector.broadcast %add3A_52 : i32 to vector<16xi32>
      %add3A_54 = arith.addi %broadcast_in_dim3A_48, %add3A_53 : vector<16xi32>
      %gather3A_55 = tpu.vector_load_idx %arg7[%add3A_51, %add3A_54] : memref<128x2xi32, #tpu.memory_space<vmem>>[vector<16xi32>, vector<16xi32>], vector<16xi32>,
      %mul3A_56 = arith.constant 128 : i32
      %mul3A_57 = vector.broadcast %mul3A_56 : i32 to vector<16xi32>
      %mul3A_58 = arith.muli %gather3A, %mul3A_57 : vector<16xi32>
      %add3A_59 = arith.addi %mul3A_58, %gather3A_55 : vector<16xi32>
      %add3A_60 = vector.broadcast %mul3A_32 : i32 to vector<16xi32>
      %add3A_61 = arith.addi %add3A_59, %add3A_60 : vector<16xi32>
      %swap3A = arith.constant 0 : index
      %swap3A_62 = tpu.vector_load %arg6[%swap3A] {strides = array<i32>} : memref<128xi32, #tpu.memory_space<vmem>>, vector<16xi32>,
      tpu.vector_store %arg6[%swap3A], %add3A_61 {strides = array<i32>} : memref<128xi32, #tpu.memory_space<vmem>>, vector<16xi32>,
      %iota3A_63 = tpu.iota {dimensions = array<i32: 0>} : vector<16xi32>
      %add3A_64 = arith.constant 16 : i32
      %add3A_65 = vector.broadcast %add3A_64 : i32 to vector<16xi32>
      %add3A_66 = arith.addi %iota3A_63, %add3A_65 : vector<16xi32>
      %gather3A_67 = tpu.vector_load_idx %arg7[%add3A_66, %broadcast_in_dim3A_48] : memref<128x2xi32, #tpu.memory_space<vmem>>[vector<16xi32>, vector<16xi32>], vector<16xi32>,
      %add3A_68 = arith.constant 1 : i32
      %add3A_69 = vector.broadcast %add3A_68 : i32 to vector<16xi32>
      %add3A_70 = arith.addi %broadcast_in_dim3A_48, %add3A_69 : vector<16xi32>
      %gather3A_71 = tpu.vector_load_idx %arg7[%add3A_66, %add3A_70] : memref<128x2xi32, #tpu.memory_space<vmem>>[vector<16xi32>, vector<16xi32>], vector<16xi32>,
      %mul3A_72 = arith.constant 128 : i32
      %mul3A_73 = vector.broadcast %mul3A_72 : i32 to vector<16xi32>
      %mul3A_74 = arith.muli %gather3A_67, %mul3A_73 : vector<16xi32>
      %add3A_75 = arith.addi %mul3A_74, %gather3A_71 : vector<16xi32>
      %add3A_76 = vector.broadcast %mul3A_32 : i32 to vector<16xi32>
      %add3A_77 = arith.addi %add3A_75, %add3A_76 : vector<16xi32>
      %swap3A_78 = arith.constant 16 : index
      %swap3A_79 = tpu.vector_load %arg6[%swap3A_78] {strides = array<i32>} : memref<128xi32, #tpu.memory_space<vmem>>, vector<16xi32>,
      tpu.vector_store %arg6[%swap3A_78], %add3A_77 {strides = array<i32>} : memref<128xi32, #tpu.memory_space<vmem>>, vector<16xi32>,
      %iota3A_80 = tpu.iota {dimensions = array<i32: 0>} : vector<16xi32>
      %add3A_81 = arith.constant 32 : i32
      %add3A_82 = vector.broadcast %add3A_81 : i32 to vector<16xi32>
      %add3A_83 = arith.addi %iota3A_80, %add3A_82 : vector<16xi32>
      %gather3A_84 = tpu.vector_load_idx %arg7[%add3A_83, %broadcast_in_dim3A_48] : memref<128x2xi32, #tpu.memory_space<vmem>>[vector<16xi32>, vector<16xi32>], vector<16xi32>,
      %add3A_85 = arith.constant 1 : i32
      %add3A_86 = vector.broadcast %add3A_85 : i32 to vector<16xi32>
      %add3A_87 = arith.addi %broadcast_in_dim3A_48, %add3A_86 : vector<16xi32>
      %gather3A_88 = tpu.vector_load_idx %arg7[%add3A_83, %add3A_87] : memref<128x2xi32, #tpu.memory_space<vmem>>[vector<16xi32>, vector<16xi32>], vector<16xi32>,
      %mul3A_89 = arith.constant 128 : i32
      %mul3A_90 = vector.broadcast %mul3A_89 : i32 to vector<16xi32>
      %mul3A_91 = arith.muli %gather3A_84, %mul3A_90 : vector<16xi32>
      %add3A_92 = arith.addi %mul3A_91, %gather3A_88 : vector<16xi32>
      %add3A_93 = vector.broadcast %mul3A_32 : i32 to vector<16xi32>
      %add3A_94 = arith.addi %add3A_92, %add3A_93 : vector<16xi32>
      %swap3A_95 = arith.constant 32 : index
      %swap3A_96 = tpu.vector_load %arg6[%swap3A_95] {strides = array<i32>} : memref<128xi32, #tpu.memory_space<vmem>>, vector<16xi32>,
      tpu.vector_store %arg6[%swap3A_95], %add3A_94 {strides = array<i32>} : memref<128xi32, #tpu.memory_space<vmem>>, vector<16xi32>,
      %iota3A_97 = tpu.iota {dimensions = array<i32: 0>} : vector<16xi32>
      %add3A_98 = arith.constant 48 : i32
      %add3A_99 = vector.broadcast %add3A_98 : i32 to vector<16xi32>
      %add3A_100 = arith.addi %iota3A_97, %add3A_99 : vector<16xi32>
      %gather3A_101 = tpu.vector_load_idx %arg7[%add3A_100, %broadcast_in_dim3A_48] : memref<128x2xi32, #tpu.memory_space<vmem>>[vector<16xi32>, vector<16xi32>], vector<16xi32>,
      %add3A_102 = arith.constant 1 : i32
      %add3A_103 = vector.broadcast %add3A_102 : i32 to vector<16xi32>
      %add3A_104 = arith.addi %broadcast_in_dim3A_48, %add3A_103 : vector<16xi32>
      %gather3A_105 = tpu.vector_load_idx %arg7[%add3A_100, %add3A_104] : memref<128x2xi32, #tpu.memory_space<vmem>>[vector<16xi32>, vector<16xi32>], vector<16xi32>,
      %mul3A_106 = arith.constant 128 : i32
      %mul3A_107 = vector.broadcast %mul3A_106 : i32 to vector<16xi32>
      %mul3A_108 = arith.muli %gather3A_101, %mul3A_107 : vector<16xi32>
      %add3A_109 = arith.addi %mul3A_108, %gather3A_105 : vector<16xi32>
      %add3A_110 = vector.broadcast %mul3A_32 : i32 to vector<16xi32>
      %add3A_111 = arith.addi %add3A_109, %add3A_110 : vector<16xi32>
      %swap3A_112 = arith.constant 48 : index
      %swap3A_113 = tpu.vector_load %arg6[%swap3A_112] {strides = array<i32>} : memref<128xi32, #tpu.memory_space<vmem>>, vector<16xi32>,
      tpu.vector_store %arg6[%swap3A_112], %add3A_111 {strides = array<i32>} : memref<128xi32, #tpu.memory_space<vmem>>, vector<16xi32>,
      %iota3A_114 = tpu.iota {dimensions = array<i32: 0>} : vector<16xi32>
      %add3A_115 = arith.constant 64 : i32
      %add3A_116 = vector.broadcast %add3A_115 : i32 to vector<16xi32>
      %add3A_117 = arith.addi %iota3A_114, %add3A_116 : vector<16xi32>
      %gather3A_118 = tpu.vector_load_idx %arg7[%add3A_117, %broadcast_in_dim3A_48] : memref<128x2xi32, #tpu.memory_space<vmem>>[vector<16xi32>, vector<16xi32>], vector<16xi32>,
      %add3A_119 = arith.constant 1 : i32
      %add3A_120 = vector.broadcast %add3A_119 : i32 to vector<16xi32>
      %add3A_121 = arith.addi %broadcast_in_dim3A_48, %add3A_120 : vector<16xi32>
      %gather3A_122 = tpu.vector_load_idx %arg7[%add3A_117, %add3A_121] : memref<128x2xi32, #tpu.memory_space<vmem>>[vector<16xi32>, vector<16xi32>], vector<16xi32>,
      %mul3A_123 = arith.constant 128 : i32
      %mul3A_124 = vector.broadcast %mul3A_123 : i32 to vector<16xi32>
      %mul3A_125 = arith.muli %gather3A_118, %mul3A_124 : vector<16xi32>
      %add3A_126 = arith.addi %mul3A_125, %gather3A_122 : vector<16xi32>
      %add3A_127 = vector.broadcast %mul3A_32 : i32 to vector<16xi32>
      %add3A_128 = arith.addi %add3A_126, %add3A_127 : vector<16xi32>
      %swap3A_129 = arith.constant 64 : index
      %swap3A_130 = tpu.vector_load %arg6[%swap3A_129] {strides = array<i32>} : memref<128xi32, #tpu.memory_space<vmem>>, vector<16xi32>,
      tpu.vector_store %arg6[%swap3A_129], %add3A_128 {strides = array<i32>} : memref<128xi32, #tpu.memory_space<vmem>>, vector<16xi32>,
      %iota3A_131 = tpu.iota {dimensions = array<i32: 0>} : vector<16xi32>
      %add3A_132 = arith.constant 80 : i32
      %add3A_133 = vector.broadcast %add3A_132 : i32 to vector<16xi32>
      %add3A_134 = arith.addi %iota3A_131, %add3A_133 : vector<16xi32>
      %gather3A_135 = tpu.vector_load_idx %arg7[%add3A_134, %broadcast_in_dim3A_48] : memref<128x2xi32, #tpu.memory_space<vmem>>[vector<16xi32>, vector<16xi32>], vector<16xi32>,
      %add3A_136 = arith.constant 1 : i32
      %add3A_137 = vector.broadcast %add3A_136 : i32 to vector<16xi32>
      %add3A_138 = arith.addi %broadcast_in_dim3A_48, %add3A_137 : vector<16xi32>
      %gather3A_139 = tpu.vector_load_idx %arg7[%add3A_134, %add3A_138] : memref<128x2xi32, #tpu.memory_space<vmem>>[vector<16xi32>, vector<16xi32>], vector<16xi32>,
      %mul3A_140 = arith.constant 128 : i32
      %mul3A_141 = vector.broadcast %mul3A_140 : i32 to vector<16xi32>
      %mul3A_142 = arith.muli %gather3A_135, %mul3A_141 : vector<16xi32>
      %add3A_143 = arith.addi %mul3A_142, %gather3A_139 : vector<16xi32>
      %add3A_144 = vector.broadcast %mul3A_32 : i32 to vector<16xi32>
      %add3A_145 = arith.addi %add3A_143, %add3A_144 : vector<16xi32>
      %swap3A_146 = arith.constant 80 : index
      %swap3A_147 = tpu.vector_load %arg6[%swap3A_146] {strides = array<i32>} : memref<128xi32, #tpu.memory_space<vmem>>, vector<16xi32>,
      tpu.vector_store %arg6[%swap3A_146], %add3A_145 {strides = array<i32>} : memref<128xi32, #tpu.memory_space<vmem>>, vector<16xi32>,
      %iota3A_148 = tpu.iota {dimensions = array<i32: 0>} : vector<16xi32>
      %add3A_149 = arith.constant 96 : i32
      %add3A_150 = vector.broadcast %add3A_149 : i32 to vector<16xi32>
      %add3A_151 = arith.addi %iota3A_148, %add3A_150 : vector<16xi32>
      %gather3A_152 = tpu.vector_load_idx %arg7[%add3A_151, %broadcast_in_dim3A_48] : memref<128x2xi32, #tpu.memory_space<vmem>>[vector<16xi32>, vector<16xi32>], vector<16xi32>,
      %add3A_153 = arith.constant 1 : i32
      %add3A_154 = vector.broadcast %add3A_153 : i32 to vector<16xi32>
      %add3A_155 = arith.addi %broadcast_in_dim3A_48, %add3A_154 : vector<16xi32>
      %gather3A_156 = tpu.vector_load_idx %arg7[%add3A_151, %add3A_155] : memref<128x2xi32, #tpu.memory_space<vmem>>[vector<16xi32>, vector<16xi32>], vector<16xi32>,
      %mul3A_157 = arith.constant 128 : i32
      %mul3A_158 = vector.broadcast %mul3A_157 : i32 to vector<16xi32>
      %mul3A_159 = arith.muli %gather3A_152, %mul3A_158 : vector<16xi32>
      %add3A_160 = arith.addi %mul3A_159, %gather3A_156 : vector<16xi32>
      %add3A_161 = vector.broadcast %mul3A_32 : i32 to vector<16xi32>
      %add3A_162 = arith.addi %add3A_160, %add3A_161 : vector<16xi32>
      %swap3A_163 = arith.constant 96 : index
      %swap3A_164 = tpu.vector_load %arg6[%swap3A_163] {strides = array<i32>} : memref<128xi32, #tpu.memory_space<vmem>>, vector<16xi32>,
      tpu.vector_store %arg6[%swap3A_163], %add3A_162 {strides = array<i32>} : memref<128xi32, #tpu.memory_space<vmem>>, vector<16xi32>,
      %iota3A_165 = tpu.iota {dimensions = array<i32: 0>} : vector<16xi32>
      %add3A_166 = arith.constant 112 : i32
      %add3A_167 = vector.broadcast %add3A_166 : i32 to vector<16xi32>
      %add3A_168 = arith.addi %iota3A_165, %add3A_167 : vector<16xi32>
      %gather3A_169 = tpu.vector_load_idx %arg7[%add3A_168, %broadcast_in_dim3A_48] : memref<128x2xi32, #tpu.memory_space<vmem>>[vector<16xi32>, vector<16xi32>], vector<16xi32>,
      %add3A_170 = arith.constant 1 : i32
      %add3A_171 = vector.broadcast %add3A_170 : i32 to vector<16xi32>
      %add3A_172 = arith.addi %broadcast_in_dim3A_48, %add3A_171 : vector<16xi32>
      %gather3A_173 = tpu.vector_load_idx %arg7[%add3A_168, %add3A_172] : memref<128x2xi32, #tpu.memory_space<vmem>>[vector<16xi32>, vector<16xi32>], vector<16xi32>,
      %mul3A_174 = arith.constant 128 : i32
      %mul3A_175 = vector.broadcast %mul3A_174 : i32 to vector<16xi32>
      %mul3A_176 = arith.muli %gather3A_169, %mul3A_175 : vector<16xi32>
      %add3A_177 = arith.addi %mul3A_176, %gather3A_173 : vector<16xi32>
      %add3A_178 = vector.broadcast %mul3A_32 : i32 to vector<16xi32>
      %add3A_179 = arith.addi %add3A_177, %add3A_178 : vector<16xi32>
      %swap3A_180 = arith.constant 112 : index
      %swap3A_181 = tpu.vector_load %arg6[%swap3A_180] {strides = array<i32>} : memref<128xi32, #tpu.memory_space<vmem>>, vector<16xi32>,
      tpu.vector_store %arg6[%swap3A_180], %add3A_179 {strides = array<i32>} : memref<128xi32, #tpu.memory_space<vmem>>, vector<16xi32>,
    } else {
    }
    %eq3A_36 = arith.constant 1 : i32
    %eq3A_37 = arith.cmpi eq, %select_n3A_30, %eq3A_36 : i32
    %convert_element_type3A_38 = arith.extui %eq3A_37 : i1 to i32
    %cond3A_39 = arith.constant 0 : i32
    %cond3A_40 = arith.cmpi ne, %convert_element_type3A_38, %cond3A_39 : i32
    scf.if %cond3A_40 {
      "tpu.region"() ({
        %run_scoped3A = tpu.sem_alloc : memref<!tpu.dma_semaphore, #tpu.memory_space<semaphore_mem>>
        %dma_start3A_94 = arith.constant 0 : i32
        %dma_start3A_95 = tpu.memref_slice %arg4[%select_n3A, %dma_start3A_94] : memref<16x128xi32, #tpu.memory_space<hbm>> -> memref<1x128xi32, #tpu.memory_space<hbm>>
        %dma_start3A_96 = tpu.memref_squeeze %dma_start3A_95 : memref<1x128xi32, #tpu.memory_space<hbm>> -> memref<128xi32, #tpu.memory_space<hbm>>
        %dma_start3A_97 = arith.constant 0 : i32
        %dma_start3A_98 = tpu.memref_slice %arg4[%select_n3A, %dma_start3A_97] : memref<16x128xi32, #tpu.memory_space<hbm>> -> memref<1x128xi32, #tpu.memory_space<hbm>>
        %dma_start3A_99 = tpu.memref_squeeze %dma_start3A_98 : memref<1x128xi32, #tpu.memory_space<hbm>> -> memref<128xi32, #tpu.memory_space<hbm>>
        tpu.enqueue_dma source(%dma_start3A_99 : memref<128xi32, #tpu.memory_space<hbm>>) target(%arg6 : memref<128xi32, #tpu.memory_space<vmem>>) target_semaphore(%run_scoped3A : memref<!tpu.dma_semaphore, #tpu.memory_space<semaphore_mem>>)
        %dma_wait3A_100 = arith.constant 0 : i32
        %dma_wait3A_101 = tpu.memref_slice %arg4[%select_n3A, %dma_wait3A_100] : memref<16x128xi32, #tpu.memory_space<hbm>> -> memref<1x128xi32, #tpu.memory_space<hbm>>
        %dma_wait3A_102 = tpu.memref_squeeze %dma_wait3A_101 : memref<1x128xi32, #tpu.memory_space<hbm>> -> memref<128xi32, #tpu.memory_space<hbm>>
        %dma_wait3A_103 = arith.constant 0 : i32
        %dma_wait3A_104 = tpu.memref_slice %arg4[%select_n3A, %dma_wait3A_103] : memref<16x128xi32, #tpu.memory_space<hbm>> -> memref<1x128xi32, #tpu.memory_space<hbm>>
        %dma_wait3A_105 = tpu.memref_squeeze %dma_wait3A_104 : memref<1x128xi32, #tpu.memory_space<hbm>> -> memref<128xi32, #tpu.memory_space<hbm>>
        tpu.wait_dma2 semaphore(%run_scoped3A : memref<!tpu.dma_semaphore, #tpu.memory_space<semaphore_mem>>) src(%dma_wait3A_105 : memref<128xi32, #tpu.memory_space<hbm>>) dst(%arg6 : memref<128xi32, #tpu.memory_space<vmem>>)
        tpu.yield
      }) : () -> ()
      %get3A = arith.constant 0 : index
      %get3A_48 = tpu.vector_load %arg6[%get3A] {strides = array<i32>} : memref<128xi32, #tpu.memory_space<vmem>>, vector<16xi32>,
      %add3A_49 = vector.broadcast %mul3A_32 : i32 to vector<16xi32>
      %add3A_50 = arith.addi %get3A_48, %add3A_49 : vector<16xi32>
      %swap3A = arith.constant 0 : index
      %swap3A_51 = tpu.vector_load %arg6[%swap3A] {strides = array<i32>} : memref<128xi32, #tpu.memory_space<vmem>>, vector<16xi32>,
      tpu.vector_store %arg6[%swap3A], %add3A_50 {strides = array<i32>} : memref<128xi32, #tpu.memory_space<vmem>>, vector<16xi32>,
      %get3A_52 = arith.constant 16 : index
      %get3A_53 = tpu.vector_load %arg6[%get3A_52] {strides = array<i32>} : memref<128xi32, #tpu.memory_space<vmem>>, vector<16xi32>,
      %add3A_54 = vector.broadcast %mul3A_32 : i32 to vector<16xi32>
      %add3A_55 = arith.addi %get3A_53, %add3A_54 : vector<16xi32>
      %swap3A_56 = arith.constant 16 : index
      %swap3A_57 = tpu.vector_load %arg6[%swap3A_56] {strides = array<i32>} : memref<128xi32, #tpu.memory_space<vmem>>, vector<16xi32>,
      tpu.vector_store %arg6[%swap3A_56], %add3A_55 {strides = array<i32>} : memref<128xi32, #tpu.memory_space<vmem>>, vector<16xi32>,
      %get3A_58 = arith.constant 32 : index
      %get3A_59 = tpu.vector_load %arg6[%get3A_58] {strides = array<i32>} : memref<128xi32, #tpu.memory_space<vmem>>, vector<16xi32>,
      %add3A_60 = vector.broadcast %mul3A_32 : i32 to vector<16xi32>
      %add3A_61 = arith.addi %get3A_59, %add3A_60 : vector<16xi32>
      %swap3A_62 = arith.constant 32 : index
      %swap3A_63 = tpu.vector_load %arg6[%swap3A_62] {strides = array<i32>} : memref<128xi32, #tpu.memory_space<vmem>>, vector<16xi32>,
      tpu.vector_store %arg6[%swap3A_62], %add3A_61 {strides = array<i32>} : memref<128xi32, #tpu.memory_space<vmem>>, vector<16xi32>,
      %get3A_64 = arith.constant 48 : index
      %get3A_65 = tpu.vector_load %arg6[%get3A_64] {strides = array<i32>} : memref<128xi32, #tpu.memory_space<vmem>>, vector<16xi32>,
      %add3A_66 = vector.broadcast %mul3A_32 : i32 to vector<16xi32>
      %add3A_67 = arith.addi %get3A_65, %add3A_66 : vector<16xi32>
      %swap3A_68 = arith.constant 48 : index
      %swap3A_69 = tpu.vector_load %arg6[%swap3A_68] {strides = array<i32>} : memref<128xi32, #tpu.memory_space<vmem>>, vector<16xi32>,
      tpu.vector_store %arg6[%swap3A_68], %add3A_67 {strides = array<i32>} : memref<128xi32, #tpu.memory_space<vmem>>, vector<16xi32>,
      %get3A_70 = arith.constant 64 : index
      %get3A_71 = tpu.vector_load %arg6[%get3A_70] {strides = array<i32>} : memref<128xi32, #tpu.memory_space<vmem>>, vector<16xi32>,
      %add3A_72 = vector.broadcast %mul3A_32 : i32 to vector<16xi32>
      %add3A_73 = arith.addi %get3A_71, %add3A_72 : vector<16xi32>
      %swap3A_74 = arith.constant 64 : index
      %swap3A_75 = tpu.vector_load %arg6[%swap3A_74] {strides = array<i32>} : memref<128xi32, #tpu.memory_space<vmem>>, vector<16xi32>,
      tpu.vector_store %arg6[%swap3A_74], %add3A_73 {strides = array<i32>} : memref<128xi32, #tpu.memory_space<vmem>>, vector<16xi32>,
      %get3A_76 = arith.constant 80 : index
      %get3A_77 = tpu.vector_load %arg6[%get3A_76] {strides = array<i32>} : memref<128xi32, #tpu.memory_space<vmem>>, vector<16xi32>,
      %add3A_78 = vector.broadcast %mul3A_32 : i32 to vector<16xi32>
      %add3A_79 = arith.addi %get3A_77, %add3A_78 : vector<16xi32>
      %swap3A_80 = arith.constant 80 : index
      %swap3A_81 = tpu.vector_load %arg6[%swap3A_80] {strides = array<i32>} : memref<128xi32, #tpu.memory_space<vmem>>, vector<16xi32>,
      tpu.vector_store %arg6[%swap3A_80], %add3A_79 {strides = array<i32>} : memref<128xi32, #tpu.memory_space<vmem>>, vector<16xi32>,
      %get3A_82 = arith.constant 96 : index
      %get3A_83 = tpu.vector_load %arg6[%get3A_82] {strides = array<i32>} : memref<128xi32, #tpu.memory_space<vmem>>, vector<16xi32>,
      %add3A_84 = vector.broadcast %mul3A_32 : i32 to vector<16xi32>
      %add3A_85 = arith.addi %get3A_83, %add3A_84 : vector<16xi32>
      %swap3A_86 = arith.constant 96 : index
      %swap3A_87 = tpu.vector_load %arg6[%swap3A_86] {strides = array<i32>} : memref<128xi32, #tpu.memory_space<vmem>>, vector<16xi32>,
      tpu.vector_store %arg6[%swap3A_86], %add3A_85 {strides = array<i32>} : memref<128xi32, #tpu.memory_space<vmem>>, vector<16xi32>,
      %get3A_88 = arith.constant 112 : index
      %get3A_89 = tpu.vector_load %arg6[%get3A_88] {strides = array<i32>} : memref<128xi32, #tpu.memory_space<vmem>>, vector<16xi32>,
      %add3A_90 = vector.broadcast %mul3A_32 : i32 to vector<16xi32>
      %add3A_91 = arith.addi %get3A_89, %add3A_90 : vector<16xi32>
      %swap3A_92 = arith.constant 112 : index
      %swap3A_93 = tpu.vector_load %arg6[%swap3A_92] {strides = array<i32>} : memref<128xi32, #tpu.memory_space<vmem>>, vector<16xi32>,
      tpu.vector_store %arg6[%swap3A_92], %add3A_91 {strides = array<i32>} : memref<128xi32, #tpu.memory_space<vmem>>, vector<16xi32>,
    } else {
    }
    %scan3A = arith.constant 0 : i32
    %scan3A_41 = arith.constant 0 : i32
    %scan3A_42 = arith.constant 128 : i32
    %scan3A_43 = arith.addi %scan3A_41, %scan3A_42 : i32
    %scan3A_44 = arith.constant 1 : i32
    scf.for %scan3A_48 = %scan3A_41 to %scan3A_43 step %scan3A_44  : i32 {
      %mul3A_49 = arith.constant 16384 : i32
      %mul3A_50 = arith.muli %scan3A_48, %mul3A_49 : i32
      %get3A = arith.constant 0 : index
      %get3A_51 = tpu.vector_load %arg6[%get3A] {strides = array<i32>} : memref<128xi32, #tpu.memory_space<vmem>>, vector<16xi32>,
      %add3A_52 = vector.broadcast %mul3A_50 : i32 to vector<16xi32>
      %add3A_53 = arith.addi %get3A_51, %add3A_52 : vector<16xi32>
      %mul3A_54 = arith.constant 128 : i32
      %mul3A_55 = arith.muli %scan3A_48, %mul3A_54 : i32
      %add3A_56 = arith.constant 0 : i32
      %add3A_57 = arith.addi %mul3A_55, %add3A_56 : i32
      %swap3A = arith.index_cast %add3A_57 : i32 to index
      %swap3A_58 = tpu.vector_load %arg8[%swap3A] {strides = array<i32>} : memref<16384xi32, #tpu.memory_space<vmem>>, vector<16xi32>,
      tpu.vector_store %arg8[%swap3A], %add3A_53 {strides = array<i32>} : memref<16384xi32, #tpu.memory_space<vmem>>, vector<16xi32>,
      %get3A_59 = arith.constant 16 : index
      %get3A_60 = tpu.vector_load %arg6[%get3A_59] {strides = array<i32>} : memref<128xi32, #tpu.memory_space<vmem>>, vector<16xi32>,
      %add3A_61 = vector.broadcast %mul3A_50 : i32 to vector<16xi32>
      %add3A_62 = arith.addi %get3A_60, %add3A_61 : vector<16xi32>
      %mul3A_63 = arith.constant 128 : i32
      %mul3A_64 = arith.muli %scan3A_48, %mul3A_63 : i32
      %add3A_65 = arith.constant 16 : i32
      %add3A_66 = arith.addi %mul3A_64, %add3A_65 : i32
      %swap3A_67 = arith.index_cast %add3A_66 : i32 to index
      %swap3A_68 = tpu.vector_load %arg8[%swap3A_67] {strides = array<i32>} : memref<16384xi32, #tpu.memory_space<vmem>>, vector<16xi32>,
      tpu.vector_store %arg8[%swap3A_67], %add3A_62 {strides = array<i32>} : memref<16384xi32, #tpu.memory_space<vmem>>, vector<16xi32>,
      %get3A_69 = arith.constant 32 : index
      %get3A_70 = tpu.vector_load %arg6[%get3A_69] {strides = array<i32>} : memref<128xi32, #tpu.memory_space<vmem>>, vector<16xi32>,
      %add3A_71 = vector.broadcast %mul3A_50 : i32 to vector<16xi32>
      %add3A_72 = arith.addi %get3A_70, %add3A_71 : vector<16xi32>
      %mul3A_73 = arith.constant 128 : i32
      %mul3A_74 = arith.muli %scan3A_48, %mul3A_73 : i32
      %add3A_75 = arith.constant 32 : i32
      %add3A_76 = arith.addi %mul3A_74, %add3A_75 : i32
      %swap3A_77 = arith.index_cast %add3A_76 : i32 to index
      %swap3A_78 = tpu.vector_load %arg8[%swap3A_77] {strides = array<i32>} : memref<16384xi32, #tpu.memory_space<vmem>>, vector<16xi32>,
      tpu.vector_store %arg8[%swap3A_77], %add3A_72 {strides = array<i32>} : memref<16384xi32, #tpu.memory_space<vmem>>, vector<16xi32>,
      %get3A_79 = arith.constant 48 : index
      %get3A_80 = tpu.vector_load %arg6[%get3A_79] {strides = array<i32>} : memref<128xi32, #tpu.memory_space<vmem>>, vector<16xi32>,
      %add3A_81 = vector.broadcast %mul3A_50 : i32 to vector<16xi32>
      %add3A_82 = arith.addi %get3A_80, %add3A_81 : vector<16xi32>
      %mul3A_83 = arith.constant 128 : i32
      %mul3A_84 = arith.muli %scan3A_48, %mul3A_83 : i32
      %add3A_85 = arith.constant 48 : i32
      %add3A_86 = arith.addi %mul3A_84, %add3A_85 : i32
      %swap3A_87 = arith.index_cast %add3A_86 : i32 to index
      %swap3A_88 = tpu.vector_load %arg8[%swap3A_87] {strides = array<i32>} : memref<16384xi32, #tpu.memory_space<vmem>>, vector<16xi32>,
      tpu.vector_store %arg8[%swap3A_87], %add3A_82 {strides = array<i32>} : memref<16384xi32, #tpu.memory_space<vmem>>, vector<16xi32>,
      %get3A_89 = arith.constant 64 : index
      %get3A_90 = tpu.vector_load %arg6[%get3A_89] {strides = array<i32>} : memref<128xi32, #tpu.memory_space<vmem>>, vector<16xi32>,
      %add3A_91 = vector.broadcast %mul3A_50 : i32 to vector<16xi32>
      %add3A_92 = arith.addi %get3A_90, %add3A_91 : vector<16xi32>
      %mul3A_93 = arith.constant 128 : i32
      %mul3A_94 = arith.muli %scan3A_48, %mul3A_93 : i32
      %add3A_95 = arith.constant 64 : i32
      %add3A_96 = arith.addi %mul3A_94, %add3A_95 : i32
      %swap3A_97 = arith.index_cast %add3A_96 : i32 to index
      %swap3A_98 = tpu.vector_load %arg8[%swap3A_97] {strides = array<i32>} : memref<16384xi32, #tpu.memory_space<vmem>>, vector<16xi32>,
      tpu.vector_store %arg8[%swap3A_97], %add3A_92 {strides = array<i32>} : memref<16384xi32, #tpu.memory_space<vmem>>, vector<16xi32>,
      %get3A_99 = arith.constant 80 : index
      %get3A_100 = tpu.vector_load %arg6[%get3A_99] {strides = array<i32>} : memref<128xi32, #tpu.memory_space<vmem>>, vector<16xi32>,
      %add3A_101 = vector.broadcast %mul3A_50 : i32 to vector<16xi32>
      %add3A_102 = arith.addi %get3A_100, %add3A_101 : vector<16xi32>
      %mul3A_103 = arith.constant 128 : i32
      %mul3A_104 = arith.muli %scan3A_48, %mul3A_103 : i32
      %add3A_105 = arith.constant 80 : i32
      %add3A_106 = arith.addi %mul3A_104, %add3A_105 : i32
      %swap3A_107 = arith.index_cast %add3A_106 : i32 to index
      %swap3A_108 = tpu.vector_load %arg8[%swap3A_107] {strides = array<i32>} : memref<16384xi32, #tpu.memory_space<vmem>>, vector<16xi32>,
      tpu.vector_store %arg8[%swap3A_107], %add3A_102 {strides = array<i32>} : memref<16384xi32, #tpu.memory_space<vmem>>, vector<16xi32>,
      %get3A_109 = arith.constant 96 : index
      %get3A_110 = tpu.vector_load %arg6[%get3A_109] {strides = array<i32>} : memref<128xi32, #tpu.memory_space<vmem>>, vector<16xi32>,
      %add3A_111 = vector.broadcast %mul3A_50 : i32 to vector<16xi32>
      %add3A_112 = arith.addi %get3A_110, %add3A_111 : vector<16xi32>
      %mul3A_113 = arith.constant 128 : i32
      %mul3A_114 = arith.muli %scan3A_48, %mul3A_113 : i32
      %add3A_115 = arith.constant 96 : i32
      %add3A_116 = arith.addi %mul3A_114, %add3A_115 : i32
      %swap3A_117 = arith.index_cast %add3A_116 : i32 to index
      %swap3A_118 = tpu.vector_load %arg8[%swap3A_117] {strides = array<i32>} : memref<16384xi32, #tpu.memory_space<vmem>>, vector<16xi32>,
      tpu.vector_store %arg8[%swap3A_117], %add3A_112 {strides = array<i32>} : memref<16384xi32, #tpu.memory_space<vmem>>, vector<16xi32>,
      %get3A_119 = arith.constant 112 : index
      %get3A_120 = tpu.vector_load %arg6[%get3A_119] {strides = array<i32>} : memref<128xi32, #tpu.memory_space<vmem>>, vector<16xi32>,
      %add3A_121 = vector.broadcast %mul3A_50 : i32 to vector<16xi32>
      %add3A_122 = arith.addi %get3A_120, %add3A_121 : vector<16xi32>
      %mul3A_123 = arith.constant 128 : i32
      %mul3A_124 = arith.muli %scan3A_48, %mul3A_123 : i32
      %add3A_125 = arith.constant 112 : i32
      %add3A_126 = arith.addi %mul3A_124, %add3A_125 : i32
      %swap3A_127 = arith.index_cast %add3A_126 : i32 to index
      %swap3A_128 = tpu.vector_load %arg8[%swap3A_127] {strides = array<i32>} : memref<16384xi32, #tpu.memory_space<vmem>>, vector<16xi32>,
      tpu.vector_store %arg8[%swap3A_127], %add3A_122 {strides = array<i32>} : memref<16384xi32, #tpu.memory_space<vmem>>, vector<16xi32>,
    }
    %scan3A_45 = arith.constant 128 : i32
    %dma_start3A = arith.constant 0 : i32
    %dma_start3A_46 = tpu.memref_slice %arg2[%dma_start3A] : memref<33554432xf32, #tpu.memory_space<hbm>> -> memref<33554432xf32, #tpu.memory_space<hbm>>
    tpu.enqueue_indirect_dma source(%dma_start3A_46 : memref<33554432xf32, #tpu.memory_space<hbm>>) target(%arg9 : memref<16384xf32, #tpu.memory_space<vmem>>) offsets(%arg8 : memref<16384xi32, #tpu.memory_space<vmem>>) semaphore(%arg10 : memref<!tpu.dma_semaphore, #tpu.memory_space<semaphore_mem>>)
    %dma_wait3A = arith.constant 0 : i32
    %dma_wait3A_47 = tpu.memref_slice %arg2[%dma_wait3A] : memref<33554432xf32, #tpu.memory_space<hbm>> -> memref<33554432xf32, #tpu.memory_space<hbm>>
    tpu.wait_indirect_dma semaphore(%arg10 : memref<!tpu.dma_semaphore, #tpu.memory_space<semaphore_mem>>) src(%dma_wait3A_47 : memref<33554432xf32, #tpu.memory_space<hbm>>) dst(%arg9 : memref<16384xf32, #tpu.memory_space<vmem>>)
    "tpu.region"() ({
      %run_scoped3A = tpu.sem_alloc : memref<!tpu.dma_semaphore, #tpu.memory_space<semaphore_mem>>
      %dma_start3A_48 = arith.constant 0 : i32
      %dma_start3A_49 = tpu.memref_slice %arg5[%add3A, %dma_start3A_48] : memref<32x16384xf32, #tpu.memory_space<hbm>> -> memref<1x16384xf32, #tpu.memory_space<hbm>>
      %dma_start3A_50 = tpu.memref_squeeze %dma_start3A_49 : memref<1x16384xf32, #tpu.memory_space<hbm>> -> memref<16384xf32, #tpu.memory_space<hbm>>
      %dma_start3A_51 = arith.constant 0 : i32
      %dma_start3A_52 = tpu.memref_slice %arg5[%add3A, %dma_start3A_51] : memref<32x16384xf32, #tpu.memory_space<hbm>> -> memref<1x16384xf32, #tpu.memory_space<hbm>>
      %dma_start3A_53 = tpu.memref_squeeze %dma_start3A_52 : memref<1x16384xf32, #tpu.memory_space<hbm>> -> memref<16384xf32, #tpu.memory_space<hbm>>
      tpu.enqueue_dma source(%arg9 : memref<16384xf32, #tpu.memory_space<vmem>>) target(%dma_start3A_53 : memref<16384xf32, #tpu.memory_space<hbm>>) target_semaphore(%run_scoped3A : memref<!tpu.dma_semaphore, #tpu.memory_space<semaphore_mem>>)
      %dma_wait3A_54 = arith.constant 0 : i32
      %dma_wait3A_55 = tpu.memref_slice %arg5[%add3A, %dma_wait3A_54] : memref<32x16384xf32, #tpu.memory_space<hbm>> -> memref<1x16384xf32, #tpu.memory_space<hbm>>
      %dma_wait3A_56 = tpu.memref_squeeze %dma_wait3A_55 : memref<1x16384xf32, #tpu.memory_space<hbm>> -> memref<16384xf32, #tpu.memory_space<hbm>>
      %dma_wait3A_57 = arith.constant 0 : i32
      %dma_wait3A_58 = tpu.memref_slice %arg5[%add3A, %dma_wait3A_57] : memref<32x16384xf32, #tpu.memory_space<hbm>> -> memref<1x16384xf32, #tpu.memory_space<hbm>>
      %dma_wait3A_59 = tpu.memref_squeeze %dma_wait3A_58 : memref<1x16384xf32, #tpu.memory_space<hbm>> -> memref<16384xf32, #tpu.memory_space<hbm>>
      tpu.wait_dma2 semaphore(%run_scoped3A : memref<!tpu.dma_semaphore, #tpu.memory_space<semaphore_mem>>) src(%arg9 : memref<16384xf32, #tpu.memory_space<vmem>>) dst(%dma_wait3A_59 : memref<16384xf32, #tpu.memory_space<hbm>>)
      tpu.yield
    }) : () -> ()
    return
  }
}

module attributes {stable_mosaic.version = 14 : i64} {
  func.func @_loss_tc(%arg0: i32, %arg1: memref<1x2x128x128xf32, #tpu.memory_space<vmem>>, %arg2: memref<2432x128xf32, #tpu.memory_space<vmem>>, %arg3: memref<128x128xf32, #tpu.memory_space<vmem>>, %arg4: memref<1x128x1xf32, #tpu.memory_space<vmem>>, %arg5: memref<1x1xf32, #tpu.memory_space<vmem>>, %arg6: memref<128x1xf32, #tpu.memory_space<vmem>>, %arg7: memref<128x1xf32, #tpu.memory_space<vmem>>, %arg8: memref<128x1xf32, #tpu.memory_space<vmem>>) attributes {dimension_semantics = [#tpu.dimension_semantics<arbitrary>], iteration_bounds = array<i64: 16>, scalar_prefetch = 0 : i64, scratch_operands = 3 : i64, tpu.core_type = #tpu.core_type<tc>, window_params = [{transform_indices = @transform_0, window_bounds = array<i64: 1, 2, 128, 128>}, {pipeline_mode = #tpu.pipeline_mode<synchronous>, transform_indices = @transform_1, window_bounds = array<i64: 2432, 128>}, {pipeline_mode = #tpu.pipeline_mode<synchronous>, transform_indices = @transform_2, window_bounds = array<i64: 128, 128>}, {transform_indices = @transform_3, window_bounds = array<i64: 1, 128, 1>}, {pipeline_mode = #tpu.pipeline_mode<synchronous>, transform_indices = @transform_4, window_bounds = array<i64: 1, 1>}]} {
    %eq3A = arith.constant 0 : i32
    %eq3A_0 = arith.cmpi eq, %arg0, %eq3A : i32
    %convert_element_type3A = arith.extui %eq3A_0 : i1 to i32
    %cond3A = arith.constant 0 : i32
    %cond3A_1 = arith.cmpi ne, %convert_element_type3A, %cond3A : i32
    scf.if %cond3A_1 {
      %broadcast_in_dim3A_131 = arith.constant 0.000000e+00 : f32
      %broadcast_in_dim3A_132 = vector.broadcast %broadcast_in_dim3A_131 : f32 to vector<128x1xf32>
      %swap3A_133 = arith.constant 0 : index
      %swap3A_134 = arith.constant 0 : index
      %swap3A_135 = vector.load %arg6[%swap3A_133, %swap3A_134] : memref<128x1xf32, #tpu.memory_space<vmem>>, vector<128x1xf32>
      tpu.vector_store %arg6[%swap3A_133, %swap3A_134], %broadcast_in_dim3A_132 {strides = array<i32>} : memref<128x1xf32, #tpu.memory_space<vmem>>, vector<128x1xf32>,
      %broadcast_in_dim3A_136 = arith.constant 0.000000e+00 : f32
      %broadcast_in_dim3A_137 = vector.broadcast %broadcast_in_dim3A_136 : f32 to vector<128x1xf32>
      %swap3A_138 = arith.constant 0 : index
      %swap3A_139 = arith.constant 0 : index
      %swap3A_140 = vector.load %arg7[%swap3A_138, %swap3A_139] : memref<128x1xf32, #tpu.memory_space<vmem>>, vector<128x1xf32>
      tpu.vector_store %arg7[%swap3A_138, %swap3A_139], %broadcast_in_dim3A_137 {strides = array<i32>} : memref<128x1xf32, #tpu.memory_space<vmem>>, vector<128x1xf32>,
      %broadcast_in_dim3A_141 = arith.constant 0.000000e+00 : f32
      %broadcast_in_dim3A_142 = vector.broadcast %broadcast_in_dim3A_141 : f32 to vector<128x1xf32>
      %swap3A_143 = arith.constant 0 : index
      %swap3A_144 = arith.constant 0 : index
      %swap3A_145 = vector.load %arg8[%swap3A_143, %swap3A_144] : memref<128x1xf32, #tpu.memory_space<vmem>>, vector<128x1xf32>
      tpu.vector_store %arg8[%swap3A_143, %swap3A_144], %broadcast_in_dim3A_142 {strides = array<i32>} : memref<128x1xf32, #tpu.memory_space<vmem>>, vector<128x1xf32>,
    } else {
    }
    %get3A = arith.constant 0 : index
    %get3A_2 = arith.constant 0 : index
    %get3A_3 = arith.constant 0 : index
    %get3A_4 = arith.constant 0 : index
    %get3A_5 = vector.load %arg1[%get3A, %get3A_2, %get3A_3, %get3A_4] : memref<1x2x128x128xf32, #tpu.memory_space<vmem>>, vector<1x1x128x128xf32>
    %get3A_6 = vector.shape_cast %get3A_5 : vector<1x1x128x128xf32> to vector<128x128xf32>
    %get3A_7 = arith.constant 0 : index
    %get3A_8 = arith.constant 1 : index
    %get3A_9 = arith.constant 0 : index
    %get3A_10 = arith.constant 0 : index
    %get3A_11 = vector.load %arg1[%get3A_7, %get3A_8, %get3A_9, %get3A_10] : memref<1x2x128x128xf32, #tpu.memory_space<vmem>>, vector<1x1x128x128xf32>
    %get3A_12 = vector.shape_cast %get3A_11 : vector<1x1x128x128xf32> to vector<128x128xf32>
    %mul3A = arith.mulf %get3A_6, %get3A_6 : vector<128x128xf32>
    %reduce_sum3A = arith.constant dense<0.000000e+00> : vector<128xf32>
    %reduce_sum3A_13 = vector.multi_reduction <add>, %mul3A, %reduce_sum3A [0] : vector<128x128xf32> to vector<128xf32>
    %broadcast_in_dim3A = vector.shape_cast %reduce_sum3A_13 : vector<128xf32> to vector<1x128xf32>
    %sqrt3A = math.sqrt %broadcast_in_dim3A : vector<1x128xf32>
    %max3A = arith.constant 9.99999996E-13 : f32
    %max3A_14 = vector.broadcast %max3A : f32 to vector<1x128xf32>
    %max3A_15 = arith.maximumf %sqrt3A, %max3A_14 : vector<1x128xf32>
    %div3A = vector.broadcast %max3A_15 : vector<1x128xf32> to vector<128x128xf32>
    %div3A_16 = arith.divf %get3A_6, %div3A : vector<128x128xf32>
    %mul3A_17 = arith.mulf %get3A_12, %get3A_12 : vector<128x128xf32>
    %reduce_sum3A_18 = arith.constant dense<0.000000e+00> : vector<128xf32>
    %reduce_sum3A_19 = vector.multi_reduction <add>, %mul3A_17, %reduce_sum3A_18 [0] : vector<128x128xf32> to vector<128xf32>
    %broadcast_in_dim3A_20 = vector.shape_cast %reduce_sum3A_19 : vector<128xf32> to vector<1x128xf32>
    %sqrt3A_21 = math.sqrt %broadcast_in_dim3A_20 : vector<1x128xf32>
    %max3A_22 = arith.constant 9.99999996E-13 : f32
    %max3A_23 = vector.broadcast %max3A_22 : f32 to vector<1x128xf32>
    %max3A_24 = arith.maximumf %sqrt3A_21, %max3A_23 : vector<1x128xf32>
    %div3A_25 = vector.broadcast %max3A_24 : vector<1x128xf32> to vector<128x128xf32>
    %div3A_26 = arith.divf %get3A_12, %div3A_25 : vector<128x128xf32>
    %get3A_27 = arith.constant 0 : index
    %get3A_28 = arith.constant 0 : index
    %get3A_29 = vector.load %arg2[%get3A_27, %get3A_28] : memref<2432x128xf32, #tpu.memory_space<vmem>>, vector<2432x128xf32>
    %dot_general3A = arith.constant dense<0.000000e+00> : vector<128x2432xf32>
    %dot_general3A_30 = tpu.matmul %div3A_16, %get3A_29, %dot_general3A {dimension_numbers = #tpu.dot_dimension_numbers<[0], [1], [1], [0], [0, 1, 1, 0], [], []>, transpose_lhs_hint = false} : vector<128x128xf32>, vector<2432x128xf32>, vector<128x2432xf32> -> vector<128x2432xf32>
    %div3A_31 = arith.constant 7.000000e-02 : f32
    %div3A_32 = vector.broadcast %div3A_31 : f32 to vector<128x2432xf32>
    %div3A_33 = arith.divf %dot_general3A_30, %div3A_32 : vector<128x2432xf32>
    %iota3A = tpu.iota {dimensions = array<i32: 0>} : vector<128x128xi32>
    %iota3A_34 = tpu.iota {dimensions = array<i32: 1>} : vector<128x128xi32>
    %eq3A_35 = arith.cmpi eq, %iota3A, %iota3A_34 : vector<128x128xi32>
    %convert_element_type3A_36 = arith.extui %eq3A_35 : vector<128x128xi1> to vector<128x128xi32>
    %convert_element_type3A_37 = arith.sitofp %convert_element_type3A_36 : vector<128x128xi32> to vector<128x128xf32>
    %get3A_38 = arith.constant 0 : index
    %get3A_39 = arith.constant 0 : index
    %get3A_40 = vector.load %arg3[%get3A_38, %get3A_39] : memref<128x128xf32, #tpu.memory_space<vmem>>, vector<128x128xf32>
    %sub3A = arith.constant 1.000000e+00 : f32
    %sub3A_41 = vector.broadcast %sub3A : f32 to vector<128x128xf32>
    %sub3A_42 = arith.subf %sub3A_41, %convert_element_type3A_37 : vector<128x128xf32>
    %mul3A_43 = arith.mulf %get3A_40, %sub3A_42 : vector<128x128xf32>
    %mul3A_44 = arith.constant 1.000000e+05 : f32
    %mul3A_45 = vector.broadcast %mul3A_44 : f32 to vector<128x128xf32>
    %mul3A_46 = arith.mulf %mul3A_43, %mul3A_45 : vector<128x128xf32>
    %slice3A = vector.extract_strided_slice %div3A_33 {offsets = [0, 0], sizes = [128, 128], strides = [1, 1]} : vector<128x2432xf32> to vector<128x128xf32>
    %sub3A_47 = arith.subf %slice3A, %mul3A_46 : vector<128x128xf32>
    %slice3A_48 = vector.extract_strided_slice %div3A_33 {offsets = [0, 128], sizes = [128, 128], strides = [1, 1]} : vector<128x2432xf32> to vector<128x128xf32>
    %sub3A_49 = arith.subf %slice3A_48, %mul3A_46 : vector<128x128xf32>
    %slice3A_50 = vector.extract_strided_slice %div3A_33 {offsets = [0, 256], sizes = [128, 128], strides = [1, 1]} : vector<128x2432xf32> to vector<128x128xf32>
    %sub3A_51 = arith.subf %slice3A_50, %mul3A_46 : vector<128x128xf32>
    %concatenate3A = tpu.concatenate %sub3A_47, %sub3A_49, %sub3A_51 in 1 : vector<128x128xf32>, vector<128x128xf32>, vector<128x128xf32> -> vector<128x384xf32>
    %slice3A_52 = vector.extract_strided_slice %div3A_33 {offsets = [0, 384], sizes = [128, 2048], strides = [1, 1]} : vector<128x2432xf32> to vector<128x2048xf32>
    %reduce_max3A = arith.constant dense<0xFF800000> : vector<128xf32>
    %reduce_max3A_53 = vector.multi_reduction <maximumf>, %concatenate3A, %reduce_max3A [1] : vector<128x384xf32> to vector<128xf32>
    %broadcast_in_dim3A_54 = vector.shape_cast %reduce_max3A_53 : vector<128xf32> to vector<128x1xf32>
    %reduce_max3A_55 = arith.constant dense<0xFF800000> : vector<128xf32>
    %reduce_max3A_56 = vector.multi_reduction <maximumf>, %slice3A_52, %reduce_max3A_55 [1] : vector<128x2048xf32> to vector<128xf32>
    %broadcast_in_dim3A_57 = vector.shape_cast %reduce_max3A_56 : vector<128xf32> to vector<128x1xf32>
    %sub3A_58 = arith.constant 5.29831743 : f32
    %sub3A_59 = vector.broadcast %sub3A_58 : f32 to vector<128x1xf32>
    %sub3A_60 = arith.subf %broadcast_in_dim3A_57, %sub3A_59 : vector<128x1xf32>
    %max3A_61 = arith.maximumf %broadcast_in_dim3A_54, %sub3A_60 : vector<128x1xf32>
    %sub3A_62 = vector.broadcast %max3A_61 : vector<128x1xf32> to vector<128x384xf32>
    %sub3A_63 = arith.subf %concatenate3A, %sub3A_62 : vector<128x384xf32>
    %exp3A = math.exp %sub3A_63 : vector<128x384xf32>
    %reduce_sum3A_64 = arith.constant dense<0.000000e+00> : vector<128xf32>
    %reduce_sum3A_65 = vector.multi_reduction <add>, %exp3A, %reduce_sum3A_64 [1] : vector<128x384xf32> to vector<128xf32>
    %broadcast_in_dim3A_66 = vector.shape_cast %reduce_sum3A_65 : vector<128xf32> to vector<128x1xf32>
    %add3A = arith.constant 5.29831743 : f32
    %add3A_67 = vector.broadcast %add3A : f32 to vector<128x1xf32>
    %add3A_68 = arith.addf %max3A_61, %add3A_67 : vector<128x1xf32>
    %sub3A_69 = vector.broadcast %add3A_68 : vector<128x1xf32> to vector<128x2048xf32>
    %sub3A_70 = arith.subf %slice3A_52, %sub3A_69 : vector<128x2048xf32>
    %exp3A_71 = math.exp %sub3A_70 : vector<128x2048xf32>
    %reduce_sum3A_72 = arith.constant dense<0.000000e+00> : vector<128xf32>
    %reduce_sum3A_73 = vector.multi_reduction <add>, %exp3A_71, %reduce_sum3A_72 [1] : vector<128x2048xf32> to vector<128xf32>
    %broadcast_in_dim3A_74 = vector.shape_cast %reduce_sum3A_73 : vector<128xf32> to vector<128x1xf32>
    %add3A_75 = arith.addf %broadcast_in_dim3A_66, %broadcast_in_dim3A_74 : vector<128x1xf32>
    %log3A = math.log %add3A_75 : vector<128x1xf32>
    %add3A_76 = arith.addf %log3A, %max3A_61 : vector<128x1xf32>
    %slice3A_77 = vector.extract_strided_slice %div3A_33 {offsets = [0, 0], sizes = [128, 128], strides = [1, 1]} : vector<128x2432xf32> to vector<128x128xf32>
    %mul3A_78 = arith.mulf %slice3A_77, %convert_element_type3A_37 : vector<128x128xf32>
    %reduce_sum3A_79 = arith.constant dense<0.000000e+00> : vector<128xf32>
    %reduce_sum3A_80 = vector.multi_reduction <add>, %mul3A_78, %reduce_sum3A_79 [1] : vector<128x128xf32> to vector<128xf32>
    %broadcast_in_dim3A_81 = vector.shape_cast %reduce_sum3A_80 : vector<128xf32> to vector<128x1xf32>
    %sub3A_82 = arith.subf %add3A_76, %broadcast_in_dim3A_81 : vector<128x1xf32>
    %get3A_83 = arith.constant 0 : index
    %get3A_84 = arith.constant 0 : index
    %get3A_85 = arith.constant 0 : index
    %get3A_86 = vector.load %arg4[%get3A_83, %get3A_84, %get3A_85] : memref<1x128x1xf32, #tpu.memory_space<vmem>>, vector<1x128x1xf32>
    %get3A_87 = vector.shape_cast %get3A_86 : vector<1x128x1xf32> to vector<128x1xf32>
    %get3A_88 = arith.constant 0 : index
    %get3A_89 = arith.constant 0 : index
    %get3A_90 = vector.load %arg6[%get3A_88, %get3A_89] : memref<128x1xf32, #tpu.memory_space<vmem>>, vector<128x1xf32>
    %mul3A_91 = arith.mulf %sub3A_82, %get3A_87 : vector<128x1xf32>
    %add3A_92 = arith.addf %get3A_90, %mul3A_91 : vector<128x1xf32>
    %swap3A = arith.constant 0 : index
    %swap3A_93 = arith.constant 0 : index
    %swap3A_94 = vector.load %arg6[%swap3A, %swap3A_93] : memref<128x1xf32, #tpu.memory_space<vmem>>, vector<128x1xf32>
    tpu.vector_store %arg6[%swap3A, %swap3A_93], %add3A_92 {strides = array<i32>} : memref<128x1xf32, #tpu.memory_space<vmem>>, vector<128x1xf32>,
    %get3A_95 = arith.constant 0 : index
    %get3A_96 = arith.constant 0 : index
    %get3A_97 = vector.load %arg7[%get3A_95, %get3A_96] : memref<128x1xf32, #tpu.memory_space<vmem>>, vector<128x1xf32>
    %add3A_98 = arith.addf %get3A_97, %get3A_87 : vector<128x1xf32>
    %swap3A_99 = arith.constant 0 : index
    %swap3A_100 = arith.constant 0 : index
    %swap3A_101 = vector.load %arg7[%swap3A_99, %swap3A_100] : memref<128x1xf32, #tpu.memory_space<vmem>>, vector<128x1xf32>
    tpu.vector_store %arg7[%swap3A_99, %swap3A_100], %add3A_98 {strides = array<i32>} : memref<128x1xf32, #tpu.memory_space<vmem>>, vector<128x1xf32>,
    %slice3A_102 = vector.extract_strided_slice %get3A_29 {offsets = [0, 0], sizes = [384, 128], strides = [1, 1]} : vector<2432x128xf32> to vector<384x128xf32>
    %dot_general3A_103 = arith.constant dense<0.000000e+00> : vector<128x384xf32>
    %dot_general3A_104 = tpu.matmul %div3A_26, %slice3A_102, %dot_general3A_103 {dimension_numbers = #tpu.dot_dimension_numbers<[0], [1], [1], [0], [0, 1, 1, 0], [], []>, transpose_lhs_hint = false} : vector<128x128xf32>, vector<384x128xf32>, vector<128x384xf32> -> vector<128x384xf32>
    %div3A_105 = arith.constant 7.000000e-02 : f32
    %div3A_106 = vector.broadcast %div3A_105 : f32 to vector<128x384xf32>
    %div3A_107 = arith.divf %dot_general3A_104, %div3A_106 : vector<128x384xf32>
    %reduce_max3A_108 = arith.constant dense<0xFF800000> : vector<128xf32>
    %reduce_max3A_109 = vector.multi_reduction <maximumf>, %div3A_107, %reduce_max3A_108 [1] : vector<128x384xf32> to vector<128xf32>
    %broadcast_in_dim3A_110 = vector.shape_cast %reduce_max3A_109 : vector<128xf32> to vector<128x1xf32>
    %sub3A_111 = vector.broadcast %broadcast_in_dim3A_110 : vector<128x1xf32> to vector<128x384xf32>
    %sub3A_112 = arith.subf %div3A_107, %sub3A_111 : vector<128x384xf32>
    %exp3A_113 = math.exp %sub3A_112 : vector<128x384xf32>
    %reduce_sum3A_114 = arith.constant dense<0.000000e+00> : vector<128xf32>
    %reduce_sum3A_115 = vector.multi_reduction <add>, %exp3A_113, %reduce_sum3A_114 [1] : vector<128x384xf32> to vector<128xf32>
    %broadcast_in_dim3A_116 = vector.shape_cast %reduce_sum3A_115 : vector<128xf32> to vector<128x1xf32>
    %log3A_117 = math.log %broadcast_in_dim3A_116 : vector<128x1xf32>
    %add3A_118 = arith.addf %log3A_117, %broadcast_in_dim3A_110 : vector<128x1xf32>
    %get3A_119 = arith.constant 0 : index
    %get3A_120 = arith.constant 0 : index
    %get3A_121 = vector.load %arg8[%get3A_119, %get3A_120] : memref<128x1xf32, #tpu.memory_space<vmem>>, vector<128x1xf32>
    %add3A_122 = arith.addf %get3A_121, %add3A_118 : vector<128x1xf32>
    %swap3A_123 = arith.constant 0 : index
    %swap3A_124 = arith.constant 0 : index
    %swap3A_125 = vector.load %arg8[%swap3A_123, %swap3A_124] : memref<128x1xf32, #tpu.memory_space<vmem>>, vector<128x1xf32>
    tpu.vector_store %arg8[%swap3A_123, %swap3A_124], %add3A_122 {strides = array<i32>} : memref<128x1xf32, #tpu.memory_space<vmem>>, vector<128x1xf32>,
    %eq3A_126 = arith.constant 15 : i32
    %eq3A_127 = arith.cmpi eq, %arg0, %eq3A_126 : i32
    %convert_element_type3A_128 = arith.extui %eq3A_127 : i1 to i32
    %cond3A_129 = arith.constant 0 : i32
    %cond3A_130 = arith.cmpi ne, %convert_element_type3A_128, %cond3A_129 : i32
    scf.if %cond3A_130 {
      %get3A_131 = arith.constant 0 : index
      %get3A_132 = arith.constant 0 : index
      %get3A_133 = vector.load %arg6[%get3A_131, %get3A_132] : memref<128x1xf32, #tpu.memory_space<vmem>>, vector<128x1xf32>
      %reduce_sum3A_134 = vector.shape_cast %get3A_133 : vector<128x1xf32> to vector<1x128x1xf32>
      %reduce_sum3A_135 = arith.constant dense<0.000000e+00> : vector<1xf32>
      %reduce_sum3A_136 = vector.multi_reduction <add>, %reduce_sum3A_134, %reduce_sum3A_135 [1, 2] : vector<1x128x1xf32> to vector<1xf32>
      %reduce_sum3A_137 = vector.shape_cast %reduce_sum3A_136 : vector<1xf32> to vector<1x1x1xf32>
      %reduce_sum3A_138 = vector.extract %reduce_sum3A_137[0, 0, 0] : f32 from vector<1x1x1xf32>
      %get3A_139 = arith.constant 0 : index
      %get3A_140 = arith.constant 0 : index
      %get3A_141 = vector.load %arg7[%get3A_139, %get3A_140] : memref<128x1xf32, #tpu.memory_space<vmem>>, vector<128x1xf32>
      %reduce_sum3A_142 = vector.shape_cast %get3A_141 : vector<128x1xf32> to vector<1x128x1xf32>
      %reduce_sum3A_143 = arith.constant dense<0.000000e+00> : vector<1xf32>
      %reduce_sum3A_144 = vector.multi_reduction <add>, %reduce_sum3A_142, %reduce_sum3A_143 [1, 2] : vector<1x128x1xf32> to vector<1xf32>
      %reduce_sum3A_145 = vector.shape_cast %reduce_sum3A_144 : vector<1xf32> to vector<1x1x1xf32>
      %reduce_sum3A_146 = vector.extract %reduce_sum3A_145[0, 0, 0] : f32 from vector<1x1x1xf32>
      %jit3A = arith.constant 9.99999997E-7 : f32
      %max3A_147 = arith.maximumf %jit3A, %reduce_sum3A_146 : f32
      %div3A_148 = arith.divf %reduce_sum3A_138, %max3A_147 : f32
      %get3A_149 = arith.constant 0 : index
      %get3A_150 = arith.constant 0 : index
      %get3A_151 = vector.load %arg8[%get3A_149, %get3A_150] : memref<128x1xf32, #tpu.memory_space<vmem>>, vector<128x1xf32>
      %reduce_sum3A_152 = vector.shape_cast %get3A_151 : vector<128x1xf32> to vector<1x128x1xf32>
      %reduce_sum3A_153 = arith.constant dense<0.000000e+00> : vector<1xf32>
      %reduce_sum3A_154 = vector.multi_reduction <add>, %reduce_sum3A_152, %reduce_sum3A_153 [1, 2] : vector<1x128x1xf32> to vector<1xf32>
      %reduce_sum3A_155 = vector.shape_cast %reduce_sum3A_154 : vector<1xf32> to vector<1x1x1xf32>
      %reduce_sum3A_156 = vector.extract %reduce_sum3A_155[0, 0, 0] : f32 from vector<1x1x1xf32>
      %div3A_157 = arith.constant 2.048000e+03 : f32
      %div3A_158 = arith.divf %reduce_sum3A_156, %div3A_157 : f32
      %add3A_159 = arith.addf %div3A_148, %div3A_158 : f32
      %broadcast_in_dim3A_160 = vector.broadcast %add3A_159 : f32 to vector<1x1xf32>
      %swap3A_161 = arith.constant 0 : index
      %swap3A_162 = arith.constant 0 : index
      %swap3A_163 = vector.load %arg5[%swap3A_161, %swap3A_162] : memref<1x1xf32, #tpu.memory_space<vmem>>, vector<1x1xf32>
      tpu.vector_store %arg5[%swap3A_161, %swap3A_162], %broadcast_in_dim3A_160 {strides = array<i32>} : memref<1x1xf32, #tpu.memory_space<vmem>>, vector<1x1xf32>,
    } else {
    }
    return
  }
  func.func @transform_0(%arg0: i32) -> (i32, i32, i32, i32) {
    %c0_i32 = arith.constant 0 : i32
    %c0_i32_0 = arith.constant 0 : i32
    %c0_i32_1 = arith.constant 0 : i32
    %c0_i32_2 = arith.constant 0 : i32
    return %arg0, %c0_i32, %c0_i32_0, %c0_i32_1 : i32, i32, i32, i32
  }
  func.func @transform_1(%arg0: i32) -> (i32, i32) {
    %c0_i32 = arith.constant 0 : i32
    %c0_i32_0 = arith.constant 0 : i32
    %c0_i32_1 = arith.constant 0 : i32
    return %c0_i32, %c0_i32_0 : i32, i32
  }
  func.func @transform_2(%arg0: i32) -> (i32, i32) {
    %c0_i32 = arith.constant 0 : i32
    %c0_i32_0 = arith.constant 0 : i32
    %c0_i32_1 = arith.constant 0 : i32
    return %c0_i32, %c0_i32_0 : i32, i32
  }
  func.func @transform_3(%arg0: i32) -> (i32, i32, i32) {
    %c0_i32 = arith.constant 0 : i32
    %c0_i32_0 = arith.constant 0 : i32
    %c0_i32_1 = arith.constant 0 : i32
    return %arg0, %c0_i32, %c0_i32_0 : i32, i32, i32
  }
  func.func @transform_4(%arg0: i32) -> (i32, i32) {
    %c0_i32 = arith.constant 0 : i32
    %c0_i32_0 = arith.constant 0 : i32
    %c0_i32_1 = arith.constant 0 : i32
    return %c0_i32, %c0_i32_0 : i32, i32
  }
}

</mosaic_0001>

<sc_bundles>
// kernel: kernel.4.cloned.1.call-start
scs
__scs_entry_jumppad:
0x0: {  	(pc) =	sbr.rel $0x88, $3  }
0x1: {  	(tag) =	ssettag $0x0;
	lr =	simm.s32 $0x1  }
0x2: {  	[smem:$0x3F9B] =	sst lr;
	_ =	strace $0xD0000000  }
0x3: {  	_ = 	snop  }
0x4: {  	_ = 	snop  }
0x5: {  	_ = 	snop  }
0x6: {  	_ = 	snop  }
0x7: {  	_ = 	snop  }
__scs_overlays_trampoline_lowered:
0x8: {  	[smem:$0x3FAA] =	sst s0  }
0x9: {  	[smem:$0x3FAB] =	sst s1  }
0xa: {  	[smem:$0x3FAC] =	sst s2  }
0xb: {  	[smem:$0x3FAD] =	sst s3  }
0xc: {  	[smem:$0x3FAE] =	sst s4  }
0xd: {  	[smem:$0x3FAF] =	sst s5  }
0xe: {  	[smem:$0x3FB0] =	sst s6  }
0xf: {  	[smem:$0x3FB1] =	sst s7  }
0x10: {  	[smem:$0x3FB2] =	sst s8  }
0x11: {  	[smem:$0x3FB3] =	sst s9;
	s0 =	simm.s32 @!p0 $0x0  }
0x12: {  	s1 =	sld [smem:$0x3F99];
	s0 =	simm.s32 @p0 $0x1  }
0x13: {  	[smem:$0x3FB4] =	sst s0;
	s0 =	simm.s32 @!p1 $0x0  }
0x14: {  	s2 =	sld [smem:$0x3F98];
	s0 =	simm.s32 @p1 $0x1  }
0x15: {  	[smem:$0x3FB5] =	sst s0;
	s0 =	simm.s32 @!p2 $0x0  }
0x16: {  	s3 =	sld [smem:$0x3FDB];
	s0 =	simm.s32 @p2 $0x1  }
0x17: {  	s4 =	simm.s32 $0x1BF5;
	[smem:$0x3FB7] =	sst s0  }
0x18: {  	s0 =	sld [smem:$0x3F9A];
	_ =	swait.ge [sflag:s4], $0x0  }
0x19: {  	s7 =	sld [smem:$0x3F9B]  }
0x1a: {  	s8 =	sadd.s32 $0xFFFFE003, lr  }
0x1b: {  	s9 =	sadd.s32 $0xFFFFFEF7, lr;
	s5 =	simm.s32 $0xFFFFFFFF;
	p2 =	slt.u32 s8, $0xFFFFF086  }
0x1c: {  	p1 =	slt.u32 s9, $0xF7A;
	s5 =	simm.s32 @!p2 $0x0  }
0x1d: {  	s5 =	simm.s32 @p1 $0x1;
	p0 =	seq.s32 s7, s2  }
0x1e: {  	s7 =	smul.u32 @!p0 $0xF7A, s2;
	p2 =	seq.s32 @!p0 s5, $0x0  }
0x1f: {  	s9 =	smul.u32 $0xF7A, s1;
	s8 =	simm.s32 @!p0 $0x1BF5;
	p2 =	por !p2, p0  }
0x20: {  	[sflag:s8] =	ssyncset.s32 @!p0 $0xFFFFF086;
	s6 =	sadd.s32 @!p0 s3, s7;
	s7 =	simm.s32 @!p0 $0x108  }
0x21: {  	s3 =	sadd.s32 s3, s9;
	s6 =	sadd.s32 @!p0 $0x88, s6;
	s7 =	simm.s32 @p2 $0x1082  }
0x22: {  	[simem:s7], [sflag:s8] =	dma.local @!p0 [hbm:s6], $0xF7A  }
0x23: {  	s9 =	sor.u32 $0xD0000000, s2;
	s6 =	simm.s32 $0x108;
	_ =	swait.ge @!p0 [sflag:s8], $0x0  }
0x24: {  	s3 =	sadd.s32 $0x88, s3;
	s6 =	simm.s32 @!p1 $0x1082;
	[sflag:s4] =	ssyncset.s32 $0xFFFFF086  }
0x25: {  	[simem:s6], [sflag:s4] =	dma.local [hbm:s3], $0xF7A  }
0x26: {  	[smem:$0x3F9B] =	sst s1;
	(tag) =	ssettag s2;
	_ =	strace s9  }
0x27: {  	s1 =	sld [smem:$0x3FAB]  }
0x28: {  	s2 =	sld [smem:$0x3FAC]  }
0x29: {  	s4 =	sld [smem:$0x3FAE]  }
0x2a: {  	p0 =	seq.s32 s5, $0x0;
	s5 =	sld [smem:$0x3FAF]  }
0x2b: {  	s6 =	sld [smem:$0x3FB0]  }
0x2c: {  	s7 =	sld [smem:$0x3FB1]  }
0x2d: {  	s3 =	simm.s32 $0x108;
	s8 =	sld [smem:$0x3FB2]  }
0x2e: {  	s3 =	simm.s32 @!p0 $0x1082;
	s9 =	sld [smem:$0x3FB3]  }
0x2f: {  	lr =	sadd.s32 s0, s3;
	s0 =	sld [smem:$0x3FAA]  }
0x30: {  	s3 =	sld [smem:$0x3FAD]  }
0x31: {  	[smem:$0x3FB6] =	sst s10  }
0x32: {  	s10 =	sld [smem:$0x3FB4];
	_ =	sdelay $0x3  }
0x33: {  	p0 =	seq.s32 s10, $0x1;
	s10 =	sld [smem:$0x3FB6];
	_ =	sdelay $0x3  }
0x34: {  	[smem:$0x3FB6] =	sst s10  }
0x35: {  	s10 =	sld [smem:$0x3FB5];
	_ =	sdelay $0x3  }
0x36: {  	p1 =	seq.s32 s10, $0x1;
	s10 =	sld [smem:$0x3FB6];
	_ =	sdelay $0x3  }
0x37: {  	[smem:$0x3FB6] =	sst s10  }
0x38: {  	s10 =	sld [smem:$0x3FB7]  }
0x39: {  	_ = 	snop;
	(pc) =	sbr.ind lr, $3  }
0x3a: {  	_ = 	snop  }
0x3b: {  	_ = 	snop  }
0x3c: {  	p2 =	seq.s32 s10, $0x1;
	s10 =	sld [smem:$0x3FB6]  }
0x3d: {  	_ =	shalt  }
0x3e: {  	_ =	shalt  }
0x3f: {  	_ =	shalt  }
0x40: {  	_ =	shalt  }
0x41: {  	_ =	shalt  }
0x42: {  	_ =	shalt  }
0x43: {  	_ =	shalt  }
0x44: {  	_ =	shalt  }
0x45: {  	_ =	shalt  }
0x46: {  	_ =	shalt  }
0x47: {  	_ =	shalt  }
0x48: {  	_ =	shalt  }
0x49: {  	_ =	shalt  }
0x4a: {  	_ =	shalt  }
0x4b: {  	_ =	shalt  }
0x4c: {  	_ =	shalt  }
0x4d: {  	_ =	shalt  }
0x4e: {  	_ =	shalt  }
0x4f: {  	_ =	shalt  }
0x50: {  	_ =	shalt  }
0x51: {  	_ =	shalt  }
0x52: {  	_ =	shalt  }
0x53: {  	_ =	shalt  }
0x54: {  	_ =	shalt  }
0x55: {  	_ =	shalt  }
0x56: {  	_ =	shalt  }
0x57: {  	_ =	shalt  }
0x58: {  	_ =	shalt  }
0x59: {  	_ =	shalt  }
0x5a: {  	_ =	shalt  }
0x5b: {  	_ =	shalt  }
0x5c: {  	_ =	shalt  }
0x5d: {  	_ =	shalt  }
0x5e: {  	_ =	shalt  }
0x5f: {  	_ =	shalt  }
0x60: {  	_ =	shalt  }
0x61: {  	_ =	shalt  }
0x62: {  	_ =	shalt  }
0x63: {  	_ =	shalt  }
0x64: {  	_ =	shalt  }
0x65: {  	_ =	shalt  }
0x66: {  	_ =	shalt  }
0x67: {  	_ =	shalt  }
0x68: {  	_ =	shalt  }
0x69: {  	_ =	shalt  }
0x6a: {  	_ =	shalt  }
0x6b: {  	_ =	shalt  }
0x6c: {  	_ =	shalt  }
0x6d: {  	_ =	shalt  }
0x6e: {  	_ =	shalt  }
0x6f: {  	_ =	shalt  }
0x70: {  	_ =	shalt  }
0x71: {  	_ =	shalt  }
0x72: {  	_ =	shalt  }
0x73: {  	_ =	shalt  }
0x74: {  	_ =	shalt  }
0x75: {  	_ =	shalt  }
0x76: {  	_ =	shalt  }
0x77: {  	_ =	shalt  }
0x78: {  	_ =	shalt  }
0x79: {  	_ =	shalt  }
0x7a: {  	_ =	shalt  }
0x7b: {  	_ =	shalt  }
0x7c: {  	_ =	shalt  }
0x7d: {  	_ =	shalt  }
0x7e: {  	_ =	shalt  }
0x7f: {  	_ =	shalt  }
0x80: {  	_ =	shalt  }
0x81: {  	_ =	shalt  }
0x82: {  	_ =	shalt  }
0x83: {  	_ =	shalt  }
0x84: {  	_ =	shalt  }
0x85: {  	_ =	shalt  }
0x86: {  	_ =	shalt  }
0x87: {  	_ =	shalt  }
.Lfunc_end0:
.L_simem_size_0:
called_computation_lowered:
.L_overlay_start_0:
0x88: {  	s2 =	sld [smem:$0x3FD9]  }
0x89: {  	s3 =	sld [smem:$0x3FFE];
	_ =	sdelay $0x1  }
0x8a: {  	s1 =	srdreg.scid  }
0x8b: {  	s0 =	sand.u32 $0x1, s1  }
0x8c: {  	s17 =	sshll.u32 s0, $0xA;
	s2 =	sadd.s32 s3, s2  }
0x8d: {  	s2 =	sadd.s32 s2, s17  }
0x8e: {  	[smem:$0x3FC2] =	sst s2  }
0x8f: {  	_ = 	snop  }
0x90: {  	s2 =	sld [smem:$0x3FC9]  }
0x91: {  	s18 =	sld [smem:$0x3FC6];
	(tm) =	ssettm $0x1  }
0x92: {  	s4 =	sld [smem:$0x3FFB];
	_ =	sdelay $0x3  }
0x93: {  	_ =	strace s4  }
0x94: {  	s4 =	sld [smem:$0x3FFC];
	_ =	sdelay $0x3  }
0x95: {  	_ =	strace s4  }
0x96: {  	s4 =	sld [smem:$0x3FFD];
	_ =	sdelay $0x3  }
0x97: {  	_ =	strace s4  }
0x98: {  	_ =	strace $0x8FFFFFFF  }
0x99: {  	s19 =	sld [smem:$0x3FDB];
	_ =	sdelay $0x1  }
0x9a: {  	s5 =	simm.s32 $_scs_section_size  }
0x9b: {  	s6 =	simm.s32 $_size__tile_overlayer_lowered;
	s7 =	simm.s32 $_tile_overlayer_lowered  }
0x9c: {  	s22 =	simm.s32 $0x1BFF;
	s21 =	sshll.u32 s7, $0x1;
	s4 =	sadd.s32 s5, s19  }
0x9d: {  	s8 =	simm.s32 $0x0;
	s20 =	sshll.u32 s6, $0x1;
	s6 =	sadd.s32 s21, s4  }
0x9e: {  	[timem:s8], [sflag:s22] =	dma.local [hbm:s6], s20  }
0x9f: {  	_ =	swait.ge [sflag:s22], s20  }
0xa0: {  	s5 =	ssub.s32 $0x0, s20;
	[sflag:s22] =	ssyncset.done $0x0  }
0xa1: {  	[sflag:s22] =	ssyncadd.s32 s5;
	_ =	sdelay $0x1  }
0xa2: {  	s23 =	simm.s32 $0x1B8B  }
0xa3: {  	_ =	swait.ge [sflag:s23], $0x1  }
0xa4: {  	[sflag:s23] =	ssyncset.done $0x0  }
0xa5: {  	s25 =	simm.s32 $0x1B8E;
	s24 =	sld [smem:$0x3FFE];
	[sflag:s23] =	ssyncadd.s32 $0xFFFFFFFF  }
0xa6: {  	s26 =	simm.s32 $execute0_lowered;
	[smem:$0x3FD2] =	sst s25  }
0xa7: {  	s6 =	sshll.u32 s26, $0x1;
	_ =	strace $0x80000046;
	[dreg:$0x1] =	wrdreg $0xFFFFFFFF  }
0xa8: {  	s28 =	simm.s32 $_size_execute0_lowered;
	s4 =	sadd.s32 s4, s6;
	[dreg:$0x0] =	wrdreg $0x0  }
0xa9: {  	s6 =	sshll.u32 s28, $0x1;
	[dreg:$0x2] =	wrdreg s4  }
0xaa: {  	[dreg:$0x3] =	wrdreg s6  }
0xab: {  	[dreg:$0x4] =	wrdreg $0xC0  }
0xac: {  	_ =	task [dreg:s8], $0x5FFFF  }
0xad: {  	[dreg:$0x1] =	wrdreg $0xFFFFFFFF  }
0xae: {  	[dreg:$0x0] =	wrdreg $0x60  }
0xaf: {  	[dreg:$0x2] =	wrdreg s2  }
0xb0: {  	[dreg:$0x3] =	wrdreg s24  }
0xb1: {  	[dreg:$0x4] =	wrdreg s18  }
0xb2: {  	[dreg:$0x5] =	wrdreg $0x9  }
0xb3: {  	_ =	task.clear_ibuf [dreg:s8], $0x6FFFF;
	_ =	strace $0x90000046  }
0xb4: {  	s29 =	simm.s32 $0x9;
	_ =	strace $0x80000048  }
0xb5: {  	_ =	swait.ge [sflag:s29], $0x1  }
0xb6: {  	[sflag:s29] =	ssyncadd.s32 $0xFFFFFFFF  }
0xb7: {  	_ =	strace $0x90000048  }
0xb8: {  	_ =	sfence  }
0xb9: {  	s30 =	sld [smem:$0x0];
	_ =	sdelay $0x2  }
0xba: {  	s31 =	sshll.u32 s1, $0xD;
	s1 =	sshrl.u32 s1, $0x2  }
0xbb: {  	s3 =	sand.u32 $0x4000, s31;
	s1 =	sadd.s32 s1, s30  }
0xbc: {  	s0 =	sor.u32 s3, s0;
	s1 =	sshll.u32 s1, $0x11  }
0xbd: {  	s0 =	sor.u32 s1, s0  }
0xbe: {  	s0 =	sadd.s32 $0x8F2B, s0  }
0xbf: {  	[sflag:s0] =	ssyncadd.remote.s32 $0x1  }
0xc0: {  	_ =	sfence.sel $0xFFFF  }
0xc1: {  	[dreg:$0x0] =	wrdreg $0xFFFFFFFF;
	(pc) =	sbr.abs _section_cstart, $3  }
0xc2: {  	[dreg:$0x1] =	wrdreg $0xFFFFFFFF  }
0xc3: {  	_ =	task.clear_ibuf [dreg:s8], $0x2FFFF;
	_ =	strace $0x9FFFFFFF  }
0xc4: {  	(tm) =	ssettm $0x7FFFFFFF  }
0xc5: {  	_ =	shalt  }
tec
execute0_lowered:
.L_overlay_start_1:
0x0: {  	(tag) =	ssettag $0x1  }
0x1: {  	s1 =	rddreg [dreg:$0x0]  }
0x2: {  	s4 =	rddreg [dreg:$0x1];
	s0 =	stileid.u32  }
0x3: {  	s2 =	srdreg.scid;
	s6 =	rddreg [dreg:$0x2]  }
0x4: {  	s8 =	simm.s32 $0x1;
	s9 =	sand.u32 $0x1, s2;
	s3 =	sshll.u32 s0, $0x1  }
0x5: {  	s2 =	rddreg [dreg:$0x3];
	s7 =	sshll.u32 s0, $0x7;
	s5 =	sor.u32 s9, s3  }
0x6: {  	s3 =	simm.s32 $0x0;
	p0 =	seq.s32 s9, $0x1;
	s7 =	sadd.s32 s7, s4  }
0x7: {  	s10 =	ssub.s32 $0x2, s9;
	p1 =	seq.s32 s5, $0x0;
	[smem:$0x7FF] =	sst s3  }
0x8: {  	s5 =	sshll.u32 s5, $0xB;
	s30 =	sshrl.u32 s10, $0x1;
	p1 =	por !p1, !p0  }
0x9: {  	_ =	strace $0x80000047;
	s11 =	sadd.s32 s5, s4;
	s10 =	ssub.s32 s10, s30  }
0xa: {  	s4 =	simm.s32 $0x1;
	s5 =	sadd.s32 $0xC00, s7;
	p1 =	por !p1, !p1  }
0xb: {  	s7 =	sadd.s32 $0x1400, s11;
	s11 =	simm.s32 $0x4480;
	s8 =	simm.s32 @!p1 $0x0  }
0xc: {  	p1 =	seq.s32 @!p0 s9, $0x0;
	s9 =	simm.s32 $0x4000;
	s8 =	ssub.s32 s0, s8  }
0xd: {  	p1 =	por p0, !p1;
	s31 =	sshll.u32 s8, $0x4;
	s13 =	sshll.u32 s8, $0x15  }
0xe: {  	s8 =	smax.u32 s10, $0x1;
	s10 =	simm.s32 $0x480;
	s12 =	sand.u32 $0x1FFFFFF0, s31  }
0xf: {  	v0 =	vmov s13;
	s13 =	simm.s32 $0x0;
	s6 =	sadd.s32 s6, s12;
	s12 =	simm.s32 $0x2  }
.LBB2_1:
0x10: {  	v1 =	vlaneseq.u32 @!p0  }
0x11: {  	s15 =	simm.s32 @!p0 $0x0;
	s14 =	simm.s32 @!p0 $0x80;
	v1 =	vmul.u32 @!p0 $0x8, v1  }
0x12: {  	[tilespmem:s14], [sflag:$0x2] =	stream.linear.gather @!p0 [hbm4b:s5+s15], $0x400, $0x38;
	[tilespmem:$0x8480] =	vst v63  }
0x13: {  	s15 =	simm.s32 @!p0 $0x2;
	v2 =	vor.u32 @!p0 $0x1, v1  }
0x14: {  	_ =	swait.ge @!p0 [sflag:s15], $0x400  }
0x15: {  	[sflag:s15] =	ssyncset.done @!p0 $0x0  }
0x16: {  	[sflag:s15] =	ssyncadd.s32 @!p0 $0xFFFFFC00  }
0x17: {  	v3 =	vld.idx.msk @!p0 [tilespmem:v1+s14+$0x0], $0xffff  }
0x18: {  	v2 =	vld.idx.msk @!p0 [tilespmem:v2+s14+$0x0], $0xffff;
	_ =	sdelay $0x2  }
0x19: {  	v4 =	vor.u32 @!p0 $0x80, v1  }
0x1a: {  	v5 =	vor.u32 @!p0 $0x81, v1  }
0x1b: {  	v3 =	vshll.u32 @!p0 v3, $0x7;
	v2 =	vadd.s32 @!p0 v0, v2  }
0x1c: {  	v2 =	vadd.s32 @!p0 v3, v2  }
0x1d: {  	[tilespmem:$0x0] =	vst @!p0 v2  }
0x1e: {  	v2 =	vld.idx.msk @!p0 [tilespmem:v4+s14+$0x0], $0xffff  }
0x1f: {  	v3 =	vld.idx.msk @!p0 [tilespmem:v5+s14+$0x0], $0xffff;
	_ =	sdelay $0x2  }
0x20: {  	v4 =	vor.u32 @!p0 $0x100, v1  }
0x21: {  	v5 =	vor.u32 @!p0 $0x101, v1  }
0x22: {  	v2 =	vshll.u32 @!p0 v2, $0x7;
	v3 =	vadd.s32 @!p0 v0, v3  }
0x23: {  	v2 =	vadd.s32 @!p0 v2, v3  }
0x24: {  	[tilespmem:$0x10] =	vst @!p0 v2  }
0x25: {  	v2 =	vld.idx.msk @!p0 [tilespmem:v4+s14+$0x0], $0xffff  }
0x26: {  	v3 =	vld.idx.msk @!p0 [tilespmem:v5+s14+$0x0], $0xffff;
	_ =	sdelay $0x2  }
0x27: {  	v4 =	vor.u32 @!p0 $0x180, v1  }
0x28: {  	v5 =	vor.u32 @!p0 $0x181, v1  }
0x29: {  	v2 =	vshll.u32 @!p0 v2, $0x7;
	v3 =	vadd.s32 @!p0 v0, v3  }
0x2a: {  	v2 =	vadd.s32 @!p0 v2, v3  }
0x2b: {  	[tilespmem:$0x20] =	vst @!p0 v2  }
0x2c: {  	v2 =	vld.idx.msk @!p0 [tilespmem:v4+s14+$0x0], $0xffff  }
0x2d: {  	v3 =	vld.idx.msk @!p0 [tilespmem:v5+s14+$0x0], $0xffff;
	_ =	sdelay $0x2  }
0x2e: {  	v4 =	vor.u32 @!p0 $0x200, v1  }
0x2f: {  	v5 =	vor.u32 @!p0 $0x201, v1  }
0x30: {  	v2 =	vshll.u32 @!p0 v2, $0x7;
	v3 =	vadd.s32 @!p0 v0, v3  }
0x31: {  	v2 =	vadd.s32 @!p0 v2, v3  }
0x32: {  	[tilespmem:$0x30] =	vst @!p0 v2  }
0x33: {  	v2 =	vld.idx.msk @!p0 [tilespmem:v4+s14+$0x0], $0xffff  }
0x34: {  	v3 =	vld.idx.msk @!p0 [tilespmem:v5+s14+$0x0], $0xffff;
	_ =	sdelay $0x2  }
0x35: {  	v4 =	vor.u32 @!p0 $0x280, v1  }
0x36: {  	v5 =	vor.u32 @!p0 $0x281, v1  }
0x37: {  	v2 =	vshll.u32 @!p0 v2, $0x7;
	v3 =	vadd.s32 @!p0 v0, v3  }
0x38: {  	v2 =	vadd.s32 @!p0 v2, v3  }
0x39: {  	[tilespmem:$0x40] =	vst @!p0 v2  }
0x3a: {  	v2 =	vld.idx.msk @!p0 [tilespmem:v4+s14+$0x0], $0xffff  }
0x3b: {  	v3 =	vld.idx.msk @!p0 [tilespmem:v5+s14+$0x0], $0xffff;
	_ =	sdelay $0x2  }
0x3c: {  	v4 =	vor.u32 @!p0 $0x300, v1  }
0x3d: {  	v5 =	vor.u32 @!p0 $0x301, v1  }
0x3e: {  	v2 =	vshll.u32 @!p0 v2, $0x7;
	v3 =	vadd.s32 @!p0 v0, v3  }
0x3f: {  	v2 =	vadd.s32 @!p0 v2, v3  }
0x40: {  	[tilespmem:$0x50] =	vst @!p0 v2  }
0x41: {  	v2 =	vld.idx.msk @!p0 [tilespmem:v4+s14+$0x0], $0xffff  }
0x42: {  	v3 =	vld.idx.msk @!p0 [tilespmem:v5+s14+$0x0], $0xffff;
	_ =	sdelay $0x2  }
0x43: {  	v4 =	vor.u32 @!p0 $0x380, v1  }
0x44: {  	v1 =	vor.u32 @!p0 $0x381, v1  }
0x45: {  	v2 =	vshll.u32 @!p0 v2, $0x7;
	v3 =	vadd.s32 @!p0 v0, v3  }
0x46: {  	v2 =	vadd.s32 @!p0 v2, v3  }
0x47: {  	[tilespmem:$0x60] =	vst @!p0 v2  }
0x48: {  	v2 =	vld.idx.msk @!p0 [tilespmem:v4+s14+$0x0], $0xffff  }
0x49: {  	v1 =	vld.idx.msk @!p0 [tilespmem:v1+s14+$0x0], $0xffff;
	_ =	sdelay $0x4  }
0x4a: {  	v2 =	vshll.u32 @!p0 v2, $0x7;
	v1 =	vadd.s32 @!p0 v0, v1  }
0x4b: {  	v1 =	vadd.s32 @!p0 v2, v1  }
0x4c: {  	[tilespmem:$0x70] =	vst @!p0 v1  }
0x4d: {  	[tilespmem:s3], [sflag:$0x2] =	stream.linear.gather @p1 [hbm4b:s6+s3], $0x80, $0x38;
	[tilespmem:$0x8480] =	vst v63  }
0x4e: {  	_ =	swait.ge @p1 [sflag:s12], $0x80  }
0x4f: {  	[sflag:s12] =	ssyncset.done @p1 $0x0  }
0x50: {  	[sflag:s12] =	ssyncadd.s32 @p1 $0xFFFFFF80  }
0x51: {  	v1 =	vld @p1 [tilespmem:$0x0]  }
0x52: {  	v2 =	vld @p1 [tilespmem:$0x10]  }
0x53: {  	v3 =	vld @p1 [tilespmem:$0x20]  }
0x54: {  	v4 =	vld @p1 [tilespmem:$0x30]  }
0x55: {  	v5 =	vld @p1 [tilespmem:$0x40]  }
0x56: {  	v6 =	vld @p1 [tilespmem:$0x50];
	v1 =	vadd.s32 @p1 v0, v1  }
0x57: {  	[tilespmem:$0x0] =	vst @p1 v1;
	v1 =	vadd.s32 @p1 v0, v2;
	v2 =	vld @p1 [tilespmem:$0x60]  }
0x58: {  	[tilespmem:$0x10] =	vst @p1 v1;
	v1 =	vadd.s32 @p1 v0, v3;
	v3 =	vld @p1 [tilespmem:$0x70]  }
0x59: {  	[tilespmem:$0x20] =	vst @p1 v1;
	v1 =	vadd.s32 @p1 v0, v4  }
0x5a: {  	[tilespmem:$0x30] =	vst @p1 v1;
	v1 =	vadd.s32 @p1 v0, v5  }
0x5b: {  	[tilespmem:$0x40] =	vst @p1 v1;
	v1 =	vadd.s32 @p1 v0, v6  }
0x5c: {  	[tilespmem:$0x50] =	vst @p1 v1;
	v1 =	vadd.s32 @p1 v0, v2  }
0x5d: {  	[tilespmem:$0x60] =	vst @p1 v1;
	v1 =	vadd.s32 @p1 v0, v3  }
0x5e: {  	[tilespmem:$0x70] =	vst @p1 v1;
	v1 =	vld [tilespmem:$0x0];
	_ =	sdelay $0x3  }
0x5f: {  	s31 =	simm.s32 $0x0  }
0x60: {  	s14 =	simm.s32 $0x4C0;
	v1 =	vadd.s32 s31, v1  }
0x61: {  	[tilespmem:s14+$0xFFFFFFC0] =	vst v1  }
0x62: {  	v1 =	vld [tilespmem:$0x10];
	_ =	sdelay $0x4  }
0x63: {  	v1 =	vadd.s32 s31, v1  }
0x64: {  	[tilespmem:s14+$0xFFFFFFD0] =	vst v1  }
0x65: {  	v1 =	vld [tilespmem:$0x20];
	_ =	sdelay $0x4  }
0x66: {  	v1 =	vadd.s32 s31, v1  }
0x67: {  	[tilespmem:s14+$0xFFFFFFE0] =	vst v1  }
0x68: {  	v1 =	vld [tilespmem:$0x30];
	_ =	sdelay $0x4  }
0x69: {  	v1 =	vadd.s32 s31, v1  }
0x6a: {  	[tilespmem:s14+$0xFFFFFFF0] =	vst v1  }
0x6b: {  	v1 =	vld [tilespmem:$0x40];
	_ =	sdelay $0x4  }
0x6c: {  	v1 =	vadd.s32 s31, v1  }
0x6d: {  	[tilespmem:s14+$0x0] =	vst v1  }
0x6e: {  	v1 =	vld [tilespmem:$0x50];
	_ =	sdelay $0x4  }
0x6f: {  	v1 =	vadd.s32 s31, v1  }
0x70: {  	[tilespmem:s14+$0x10] =	vst v1  }
0x71: {  	v1 =	vld [tilespmem:$0x60];
	_ =	sdelay $0x4  }
0x72: {  	v1 =	vadd.s32 s31, v1  }
0x73: {  	[tilespmem:s14+$0x20] =	vst v1  }
0x74: {  	v1 =	vld [tilespmem:$0x70];
	_ =	sdelay $0x4  }
0x75: {  	v1 =	vadd.s32 s31, v1  }
0x76: {  	[tilespmem:s14+$0x30] =	vst v1  }
0x77: {  	s16 =	simm.s32 $0x8000;
	s15 =	simm.s32 $0x4000;
	v1 =	vld [tilespmem:$0x0]  }
.LBB2_2:
0x78: {  	p2 =	sne.s32 s16, $0x1FC000;
	_ =	sdelay $0x3  }
0x79: {  	s14 =	sadd.s32 $0x80, s14;
	v1 =	vadd.s32 s15, v1  }
0x7a: {  	[tilespmem:s14+$0xFFFFFFC0] =	vst v1  }
0x7b: {  	v1 =	vld [tilespmem:$0x10];
	_ =	sdelay $0x4  }
0x7c: {  	v1 =	vadd.s32 s15, v1  }
0x7d: {  	[tilespmem:s14+$0xFFFFFFD0] =	vst v1  }
0x7e: {  	v1 =	vld [tilespmem:$0x20];
	_ =	sdelay $0x4  }
0x7f: {  	v1 =	vadd.s32 s15, v1  }
0x80: {  	[tilespmem:s14+$0xFFFFFFE0] =	vst v1  }
0x81: {  	v1 =	vld [tilespmem:$0x30];
	_ =	sdelay $0x4  }
0x82: {  	v1 =	vadd.s32 s15, v1  }
0x83: {  	[tilespmem:s14+$0xFFFFFFF0] =	vst v1  }
0x84: {  	v1 =	vld [tilespmem:$0x40];
	_ =	sdelay $0x4  }
0x85: {  	v1 =	vadd.s32 s15, v1  }
0x86: {  	[tilespmem:s14+$0x0] =	vst v1  }
0x87: {  	v1 =	vld [tilespmem:$0x50];
	_ =	sdelay $0x4  }
0x88: {  	v1 =	vadd.s32 s15, v1  }
0x89: {  	[tilespmem:s14+$0x10] =	vst v1  }
0x8a: {  	v1 =	vld [tilespmem:$0x60];
	_ =	sdelay $0x4  }
0x8b: {  	v1 =	vadd.s32 s15, v1  }
0x8c: {  	[tilespmem:s14+$0x20] =	vst v1  }
0x8d: {  	v1 =	vld [tilespmem:$0x70];
	_ =	sdelay $0x2  }
.Ltmp0:
0x8e: {  	(pc) =	sbr.rel @p2 .LBB2_2-.Ltmp0, $4  }
0x8f: {  	_ = 	snop  }
0x90: {  	v1 =	vadd.s32 s15, v1;
	s15 =	smov.u32 s16  }
0x91: {  	[tilespmem:s14+$0x30] =	vst v1  }
0x92: {  	s16 =	sadd.s32 $0x4000, s16;
	v1 =	vld [tilespmem:$0x0]  }
0x93: {  	_ =	sdelay $0x3  }
0x94: {  	s14 =	sadd.s32 $0x80, s14;
	v1 =	vadd.s32 s15, v1  }
0x95: {  	[tilespmem:s14+$0xFFFFFFC0] =	vst v1  }
0x96: {  	v1 =	vld [tilespmem:$0x10];
	_ =	sdelay $0x4  }
0x97: {  	v1 =	vadd.s32 s15, v1  }
0x98: {  	[tilespmem:s14+$0xFFFFFFD0] =	vst v1  }
0x99: {  	v1 =	vld [tilespmem:$0x20];
	_ =	sdelay $0x4  }
0x9a: {  	v1 =	vadd.s32 s15, v1  }
0x9b: {  	[tilespmem:s14+$0xFFFFFFE0] =	vst v1  }
0x9c: {  	v1 =	vld [tilespmem:$0x30];
	_ =	sdelay $0x4  }
0x9d: {  	v1 =	vadd.s32 s15, v1  }
0x9e: {  	[tilespmem:s14+$0xFFFFFFF0] =	vst v1  }
0x9f: {  	v1 =	vld [tilespmem:$0x40];
	_ =	sdelay $0x4  }
0xa0: {  	v1 =	vadd.s32 s15, v1  }
0xa1: {  	[tilespmem:s14+$0x0] =	vst v1  }
0xa2: {  	v1 =	vld [tilespmem:$0x50];
	_ =	sdelay $0x4  }
0xa3: {  	v1 =	vadd.s32 s15, v1  }
0xa4: {  	[tilespmem:s14+$0x10] =	vst v1  }
0xa5: {  	v1 =	vld [tilespmem:$0x60];
	_ =	sdelay $0x4  }
0xa6: {  	v1 =	vadd.s32 s15, v1  }
0xa7: {  	[tilespmem:s14+$0x20] =	vst v1  }
0xa8: {  	v1 =	vld [tilespmem:$0x70];
	_ =	sdelay $0x4  }
0xa9: {  	v1 =	vadd.s32 s15, v1  }
0xaa: {  	[tilespmem:s14+$0x30] =	vst v1  }
0xab: {  	[tilespmem:s11], [sflag:$0x1] =	stream.indirect.gather [hbm4b:s1+s9], $0x1, s10, s9, $0xb8;
	[tilespmem:$0x8480] =	vst v63  }
0xac: {  	s13 =	sadd.s32 $0x1, s13;
	_ =	swait.ge [sflag:s4], $0x4000  }
0xad: {  	p2 =	sne.s32 s13, s8;
	[sflag:s4] =	ssyncset.done $0x0  }
.Ltmp1:
0xae: {  	[sflag:s4] =	ssyncadd.s32 $0xFFFFC000;
	(pc) =	sbr.rel @p2 .LBB2_1-.Ltmp1, $4  }
0xaf: {  	[hbm4b:s7+s3] =	stream.linear.scatter [tilespmem:s11], [sflag:$0x2], $0x4000, $0x38;
	[tilespmem:$0x8480] =	vst v63  }
0xb0: {  	_ =	swait.ge [sflag:s12], $0x4000  }
0xb1: {  	[sflag:s12] =	ssyncset.done $0x0  }
0xb2: {  	[sflag:s12] =	ssyncadd.s32 $0xFFFFC000  }
0xb3: {  	_ =	sfence.sel $0x180000  }
0xb4: {  	[bflag:$0x0] =	sbarrier.arrive $0xFFFF  }
0xb5: {  	p0 =	sne.s32 s0, $0x0;
	_ =	strace $0x90000047  }
0xb6: {  	s0 =	sadd.s32 @!p0 $0x100000, s2;
	[bflag:$0x2] =	sbarrier.arrive $0xFFFF  }
0xb7: {  	[sflag:s0] =	ssyncadd.tile.s32 @!p0 $0x1;
	_ =	shalt  }
.Lfunc_end2:
_tile_overlayer_lowered:
.L_overlay_start_2:
0xb8: {  	(tag) =	ssettag $0x2  }
0xb9: {  	s0 =	rddreg [dreg:$0x0];
	s2 =	stileid.u32  }
0xba: {  	s1 =	rddreg [dreg:$0x1];
	p0 =	sne.s32 s2, $0x0  }
0xbb: {  	s3 =	rddreg [dreg:$0x2];
	[bflag:$0x3] =	sbarrier.arrive $0xFFFF;
	s2 =	simm.s32 @!p0 $0x1C02  }
0xbc: {  	[timem:s3], [sflag:s2] =	dma.local @!p0 [hbm:s0], s1  }
0xbd: {  	s0 =	simm.s32 @!p0 $0x2  }
0xbe: {  	_ =	swait.ge @!p0 [sflag:s0], s1  }
0xbf: {  	s1 =	ssub.s32 @!p0 $0x0, s1;
	[sflag:s0] =	ssyncset.done @!p0 $0x0  }
0xc0: {  	[sflag:s0] =	ssyncadd.s32 @!p0 s1  }
0xc1: {  	[bflag:$0x3] =	sbarrier.arrive $0xFFFF  }
0xc2: {  	_ =	shalt  }

</sc_bundles>
